<compile_context>
chip_gen: v7x
topology: tpu7x:2x2x1
jax: 0.10.2.dev20260603
libtpu: 0.0.44.dev20260713+nightly
codegen_flags: <defaults>
</compile_context>

<pallas_src>
import functools

import jax
import jax.numpy as jnp
from jax import lax
from jax.experimental import pallas as pl
from jax.experimental.pallas import tpu as pltpu
from jax.experimental.pallas import tpu_sc as plsc

B, J, K, H, V = 16, 4, 2048, 256, 65536
PAIRS = B * J
L = 16
NC, NS = 2, 16
NW = NC * NS
PPW = PAIRS // NW
NPHASE = 2
VH = V // NPHASE
VBLK = 4096


def _tc_scores_phase(stims, embed, ph):

    def mm(stims_ref, emb_ref, out_ref):
        out_ref[...] = lax.dot_general(
            stims_ref[...], emb_ref[...],
            dimension_numbers=(((1,), (1,)), ((), ())),
            preferred_element_type=jnp.float32,
            precision=lax.Precision.HIGHEST,
        )

    base_blk = ph * (VH // VBLK)
    return pl.pallas_call(
        mm,
        grid=(VH // VBLK,),
        in_specs=[
            pl.BlockSpec((B, H), lambda i: (0, 0)),
            pl.BlockSpec((VBLK, H), lambda i: (base_blk + i, 0)),
        ],
        out_specs=pl.BlockSpec((B, VBLK), lambda i: (0, i)),
        out_shape=jax.ShapeDtypeStruct((B, VH), jnp.float32),
    )(stims, embed)


def _sc_phase(scores_ph, atn_idx, lens, prev_x, ph):
    last = ph == NPHASE - 1
    base = ph * VH
    mesh = plsc.VectorSubcoreMesh(core_axis_name="c", subcore_axis_name="s")

    out_type = [jax.ShapeDtypeStruct((B, J, K), jnp.float32)]
    scratch = [
        pltpu.VMEM((VH,), jnp.float32),
        pltpu.VMEM((PPW, K), jnp.int32),
        pltpu.VMEM((PPW, K), jnp.float32),
        pltpu.VMEM((PPW, K), jnp.float32),
        pltpu.SemaphoreType.DMA,
        pltpu.SemaphoreType.DMA,
    ]
    if last:
        out_type.append(jax.ShapeDtypeStruct((PAIRS, L), jnp.int32))
        scratch.append(pltpu.VMEM((PPW, L), jnp.int32))
        scratch.append(pltpu.VMEM((PAIRS,), jnp.int32))

    @functools.partial(
        pl.kernel,
        mesh=mesh,
        compiler_params=pltpu.CompilerParams(needs_layout_passes=False),
        out_type=out_type,
        scratch_types=scratch,
    )
    def k(scores_hbm, idx_hbm, *rest):
        prev_hbm = None
        if ph > 0:
            prev_hbm, *rest = rest
        if last:
            lens_hbm, x_hbm, xidx_hbm, row_v, idx_v, xbuf_v, prev_v, \
                sem_in, sem_out, xidx_v, lens_v = rest
        else:
            x_hbm, row_v, idx_v, xbuf_v, prev_v, sem_in, sem_out = rest
        wid = lax.axis_index("s") * NC + lax.axis_index("c")
        b = wid // (NW // B)
        copies = [pltpu.async_copy(scores_hbm.at[b], row_v, sem_in)]
        for jj in range(PPW):
            j = (wid * PPW + jj) % J
            copies.append(
                pltpu.async_copy(idx_hbm.at[b, j], idx_v.at[jj], sem_in))
            if ph > 0:
                copies.append(
                    pltpu.async_copy(prev_hbm.at[b, j], prev_v.at[jj],
                                     sem_in))
        if last:
            copies.append(pltpu.async_copy(lens_hbm, lens_v, sem_in))
        for c in copies:
            c.wait()
        lane = lax.broadcasted_iota(jnp.int32, (L,), 0)
        neg = jnp.full((L,), -1e9, jnp.float32)
        zero = jnp.zeros((L,), jnp.int32)
        writes = []
        for jj in range(PPW):
            p = wid * PPW + jj
            j = p % J
            if last:
                ln = plsc.load_gather(
                    lens_v, [jnp.full((L,), p, jnp.int32)])

            def body(i, carry, jj=jj):
                best_val, best_idx = carry
                idxv = idx_v[jj, pl.ds(i * L, L)]
                local = idxv - base
                inrange = (idxv >= base) & (local < VH)
                safe = jnp.where(inrange, local, zero)
                vals = plsc.load_gather(row_v, [safe])
                if ph > 0:
                    prev = prev_v[jj, pl.ds(i * L, L)]
                else:
                    prev = jnp.zeros((L,), jnp.float32)
                merged = jnp.where(inrange, vals, prev)
                xbuf_v[jj, pl.ds(i * L, L)] = merged
                if last:
                    kv = lane + i * L
                    mval = jnp.where(kv < ln, merged, neg)
                    upd = mval > best_val
                    return (jnp.where(upd, mval, best_val),
                            jnp.where(upd, kv, best_idx))
                return carry

            bv0 = jnp.full((L,), -jnp.inf, jnp.float32)
            bi0 = jnp.zeros((L,), jnp.int32)
            bv, bi = lax.fori_loop(0, K // L, body, (bv0, bi0))
            if last:
                mx = jnp.max(bv, axis=0)
                cand = jnp.where(bv == mx, bi, jnp.int32(K))
                amin = jnp.min(cand, axis=0)
                xidx_v[jj] = jnp.full((L,), amin, jnp.int32)
                writes.append(
                    pltpu.async_copy(xidx_v.at[jj], xidx_hbm.at[p],
                                     sem_out))
            writes.append(
                pltpu.async_copy(xbuf_v.at[jj], x_hbm.at[b, j], sem_out))
        for w in writes:
            w.wait()

    args = [scores_ph, atn_idx]
    if ph > 0:
        args.append(prev_x)
    if last:
        args.append(lens)
    return k(*args)


def kernel(stims, embed, atn_idx, lens):
    idx = atn_idx.astype(jnp.int32)
    lens_flat = lens.reshape(PAIRS).astype(jnp.int32)
    x = None
    for ph in range(NPHASE - 1):
        scores_ph = _tc_scores_phase(stims, embed, ph)
        (x,) = _sc_phase(scores_ph, idx, lens_flat, x, ph)
    scores_ph = _tc_scores_phase(stims, embed, NPHASE - 1)
    x, xidx = _sc_phase(scores_ph, idx, lens_flat, x, NPHASE - 1)
    xIdx = xidx[:, 0].reshape(B, J)
    return (x, xIdx)

# --- scband reference (transcript-rebuilt; emitter-appended) ---
"""Pipeline reference for scband-net-tree-17257178595470 (READ-ONLY COPY).

The authoritative reference and input builder live on the scoring server;
editing this copy changes nothing except your own understanding.
"""

import jax, jax.numpy as jnp
import numpy as np

B, J, K, H, V = 16, 4, 2048, 256, 65536

def setup_inputs(seed: int = 0) -> dict:
    key = jax.random.key(seed)
    k0, k1, k2, k3 = jax.random.split(key, 4)
    stims = jax.random.normal(k0, (B, H), dtype=jnp.float32)
    embed = jax.random.normal(k1, (V, H), dtype=jnp.float32)
    atn_idx = jax.random.randint(k2, (B, J, K), 0, V, dtype=jnp.int64) if jax.config.jax_enable_x64 else jax.random.randint(k2, (B, J, K), 0, V, dtype=jnp.int32)
    lens = jax.random.randint(k3, (B, J), 1, K, dtype=jnp.int32)
    return {"stims": stims, "embed": embed, "atn_idx": atn_idx, "lens": lens}

def reference(stims, embed, atn_idx, lens):
    # bufferedSelect path of NetTree.forward:
    # nameMap lookup is pre-resolved into atn_idx (indices into the embed table).
    # targs = embed[names].view(i, j, k, -1)
    targs = jnp.take(embed, atn_idx, axis=0)              # (B, J, K, H) gather
    # stim = stim.unsqueeze(1).unsqueeze(1)
    stim = stims[:, None, None, :]                        # (B, 1, 1, H)
    # VariableDiscreteAction.forward: x = (stim * args).sum(-1)
    x = jnp.sum(stim * targs, axis=-1)                    # (B, J, K)
    # variable-length candidate mask: inds < lens
    inds = jnp.arange(x.shape[-1])[None, None, :]
    mask = inds < lens[..., None]
    # Action.forward -> functional.classify(x, mask): masked selection (argmax)
    masked_logits = jnp.where(mask, x, jnp.float32(-1e9))
    xIdx = jnp.argmax(masked_logits, axis=-1)             # (B, J)
    return (x, xIdx)

if __name__ == "__main__":
    import jax
    _d = setup_inputs()
    print(jax.jit(kernel)(*tuple(_d.values())))

</pallas_src>

<mosaic_0001>
#map = affine_map<(d0, d1) -> (0, 0)>
#map1 = affine_map<(d0, d1) -> (0, 0, 0)>
#map2 = affine_map<(d0, d1) -> (0)>
module attributes {stable_mosaic.version = 14 : i64} {
  func.func @k(%arg0: i32, %arg1: i32, %arg2: memref<16x32768xf32, #tpu.memory_space<hbm>>, %arg3: memref<16x4x2048xi32, #tpu.memory_space<hbm>>, %arg4: memref<16x4x2048xf32, #tpu.memory_space<hbm>>, %arg5: memref<64xi32, #tpu.memory_space<hbm>>, %arg6: memref<16x4x2048xf32, #tpu.memory_space<hbm>>, %arg7: memref<64x16xi32, #tpu.memory_space<hbm>>, %arg8: memref<32768xf32, #tpu.memory_space<vmem>>, %arg9: memref<2x2048xi32, #tpu.memory_space<vmem>>, %arg10: memref<2x2048xf32, #tpu.memory_space<vmem>>, %arg11: memref<2x2048xf32, #tpu.memory_space<vmem>>, %arg12: memref<!tpu.dma_semaphore, #tpu.memory_space<semaphore_mem>>, %arg13: memref<!tpu.dma_semaphore, #tpu.memory_space<semaphore_mem>>, %arg14: memref<2x16xi32, #tpu.memory_space<vmem>>, %arg15: memref<64xi32, #tpu.memory_space<vmem>>) attributes {dimension_semantics = [#tpu.dimension_semantics<core_parallel>, #tpu.dimension_semantics<subcore_parallel>], iteration_bounds = array<i64: 2, 16>, scalar_prefetch = 0 : i64, scratch_operands = 8 : i64, tpu.core_type = #tpu.core_type<sc_vector_subcore>, window_params = [{transform_indices = #map}, {transform_indices = #map1}, {transform_indices = #map1}, {transform_indices = #map2}, {transform_indices = #map1}, {transform_indices = #map}]} {
    %mul3A = arith.constant 2 : i32
    %mul3A_0 = arith.muli %arg1, %mul3A : i32
    %add3A = arith.addi %mul3A_0, %arg0 : i32
    %jit3A = arith.constant 2 : i32
    %div3A = arith.divsi %add3A, %jit3A : i32
    %sign3A = arith.constant 0 : i32
    %sign3A_1 = arith.cmpi sgt, %add3A, %sign3A : i32
    %sign3A_2 = arith.extui %sign3A_1 : i1 to i32
    %sign3A_3 = arith.constant 0 : i32
    %sign3A_4 = arith.cmpi slt, %add3A, %sign3A_3 : i32
    %sign3A_5 = arith.extui %sign3A_4 : i1 to i32
    %sign3A_6 = arith.subi %sign3A_2, %sign3A_5 : i32
    %sign3A_7 = arith.constant 0 : i32
    %sign3A_8 = arith.cmpi sgt, %jit3A, %sign3A_7 : i32
    %sign3A_9 = arith.extui %sign3A_8 : i1 to i32
    %sign3A_10 = arith.constant 0 : i32
    %sign3A_11 = arith.cmpi slt, %jit3A, %sign3A_10 : i32
    %sign3A_12 = arith.extui %sign3A_11 : i1 to i32
    %sign3A_13 = arith.subi %sign3A_9, %sign3A_12 : i32
    %ne3A = arith.cmpi ne, %sign3A_6, %sign3A_13 : i32
    %rem3A = arith.remsi %add3A, %jit3A : i32
    %ne3A_14 = arith.constant 0 : i32
    %ne3A_15 = arith.cmpi ne, %rem3A, %ne3A_14 : i32
    %and3A = arith.andi %ne3A, %ne3A_15 : i1
    %sub3A = arith.constant 1 : i32
    %sub3A_16 = arith.subi %div3A, %sub3A : i32
    %select_n3A = arith.select %and3A, %sub3A_16, %div3A : i32
    %dma_start3A = arith.constant 0 : i32
    %dma_start3A_17 = tpu.memref_slice %arg2[%select_n3A, %dma_start3A] : memref<16x32768xf32, #tpu.memory_space<hbm>> -> memref<1x32768xf32, #tpu.memory_space<hbm>>
    %dma_start3A_18 = tpu.memref_squeeze %dma_start3A_17 : memref<1x32768xf32, #tpu.memory_space<hbm>> -> memref<32768xf32, #tpu.memory_space<hbm>>
    %dma_start3A_19 = arith.constant 0 : i32
    %dma_start3A_20 = tpu.memref_slice %arg2[%select_n3A, %dma_start3A_19] : memref<16x32768xf32, #tpu.memory_space<hbm>> -> memref<1x32768xf32, #tpu.memory_space<hbm>>
    %dma_start3A_21 = tpu.memref_squeeze %dma_start3A_20 : memref<1x32768xf32, #tpu.memory_space<hbm>> -> memref<32768xf32, #tpu.memory_space<hbm>>
    tpu.enqueue_dma source(%dma_start3A_21 : memref<32768xf32, #tpu.memory_space<hbm>>) target(%arg8 : memref<32768xf32, #tpu.memory_space<vmem>>) target_semaphore(%arg12 : memref<!tpu.dma_semaphore, #tpu.memory_space<semaphore_mem>>)
    %mul3A_22 = arith.constant 2 : i32
    %mul3A_23 = arith.muli %add3A, %mul3A_22 : i32
    %add3A_24 = arith.constant 0 : i32
    %add3A_25 = arith.addi %mul3A_23, %add3A_24 : i32
    %jit3A_26 = arith.constant 4 : i32
    %eq3A = arith.constant 0 : i32
    %eq3A_27 = arith.cmpi eq, %jit3A_26, %eq3A : i32
    %jit3A_28 = arith.constant 1 : i32
    %select_n3A_29 = arith.select %eq3A_27, %jit3A_28, %jit3A_26 : i32
    %rem3A_30 = arith.remsi %add3A_25, %select_n3A_29 : i32
    %ne3A_31 = arith.constant 0 : i32
    %ne3A_32 = arith.cmpi ne, %rem3A_30, %ne3A_31 : i32
    %lt3A = arith.constant 0 : i32
    %lt3A_33 = arith.cmpi slt, %rem3A_30, %lt3A : i32
    %lt3A_34 = arith.constant 0 : i32
    %lt3A_35 = arith.cmpi slt, %select_n3A_29, %lt3A_34 : i32
    %ne3A_36 = arith.xori %lt3A_33, %lt3A_35 : i1
    %and3A_37 = arith.andi %ne3A_36, %ne3A_32 : i1
    %add3A_38 = arith.addi %rem3A_30, %select_n3A_29 : i32
    %select_n3A_39 = arith.select %and3A_37, %add3A_38, %rem3A_30 : i32
    %dma_start3A_40 = arith.constant 0 : i32
    %dma_start3A_41 = arith.constant 0 : i32
    %dma_start3A_42 = tpu.memref_slice %arg9[%dma_start3A_40, %dma_start3A_41] : memref<2x2048xi32, #tpu.memory_space<vmem>> -> memref<1x2048xi32, #tpu.memory_space<vmem>>
    %dma_start3A_43 = tpu.memref_squeeze %dma_start3A_42 : memref<1x2048xi32, #tpu.memory_space<vmem>> -> memref<2048xi32, #tpu.memory_space<vmem>>
    %dma_start3A_44 = arith.constant 0 : i32
    %dma_start3A_45 = tpu.memref_slice %arg3[%select_n3A, %select_n3A_39, %dma_start3A_44] : memref<16x4x2048xi32, #tpu.memory_space<hbm>> -> memref<1x1x2048xi32, #tpu.memory_space<hbm>>
    %dma_start3A_46 = tpu.memref_squeeze %dma_start3A_45 : memref<1x1x2048xi32, #tpu.memory_space<hbm>> -> memref<2048xi32, #tpu.memory_space<hbm>>
    %dma_start3A_47 = arith.constant 0 : i32
    %dma_start3A_48 = tpu.memref_slice %arg9[%dma_start3A_40, %dma_start3A_47] : memref<2x2048xi32, #tpu.memory_space<vmem>> -> memref<1x2048xi32, #tpu.memory_space<vmem>>
    %dma_start3A_49 = tpu.memref_squeeze %dma_start3A_48 : memref<1x2048xi32, #tpu.memory_space<vmem>> -> memref<2048xi32, #tpu.memory_space<vmem>>
    %dma_start3A_50 = arith.constant 0 : i32
    %dma_start3A_51 = tpu.memref_slice %arg3[%select_n3A, %select_n3A_39, %dma_start3A_50] : memref<16x4x2048xi32, #tpu.memory_space<hbm>> -> memref<1x1x2048xi32, #tpu.memory_space<hbm>>
    %dma_start3A_52 = tpu.memref_squeeze %dma_start3A_51 : memref<1x1x2048xi32, #tpu.memory_space<hbm>> -> memref<2048xi32, #tpu.memory_space<hbm>>
    tpu.enqueue_dma source(%dma_start3A_52 : memref<2048xi32, #tpu.memory_space<hbm>>) target(%dma_start3A_49 : memref<2048xi32, #tpu.memory_space<vmem>>) target_semaphore(%arg12 : memref<!tpu.dma_semaphore, #tpu.memory_space<semaphore_mem>>)
    %dma_start3A_53 = arith.constant 0 : i32
    %dma_start3A_54 = arith.constant 0 : i32
    %dma_start3A_55 = tpu.memref_slice %arg11[%dma_start3A_53, %dma_start3A_54] : memref<2x2048xf32, #tpu.memory_space<vmem>> -> memref<1x2048xf32, #tpu.memory_space<vmem>>
    %dma_start3A_56 = tpu.memref_squeeze %dma_start3A_55 : memref<1x2048xf32, #tpu.memory_space<vmem>> -> memref<2048xf32, #tpu.memory_space<vmem>>
    %dma_start3A_57 = arith.constant 0 : i32
    %dma_start3A_58 = tpu.memref_slice %arg4[%select_n3A, %select_n3A_39, %dma_start3A_57] : memref<16x4x2048xf32, #tpu.memory_space<hbm>> -> memref<1x1x2048xf32, #tpu.memory_space<hbm>>
    %dma_start3A_59 = tpu.memref_squeeze %dma_start3A_58 : memref<1x1x2048xf32, #tpu.memory_space<hbm>> -> memref<2048xf32, #tpu.memory_space<hbm>>
    %dma_start3A_60 = arith.constant 0 : i32
    %dma_start3A_61 = tpu.memref_slice %arg11[%dma_start3A_53, %dma_start3A_60] : memref<2x2048xf32, #tpu.memory_space<vmem>> -> memref<1x2048xf32, #tpu.memory_space<vmem>>
    %dma_start3A_62 = tpu.memref_squeeze %dma_start3A_61 : memref<1x2048xf32, #tpu.memory_space<vmem>> -> memref<2048xf32, #tpu.memory_space<vmem>>
    %dma_start3A_63 = arith.constant 0 : i32
    %dma_start3A_64 = tpu.memref_slice %arg4[%select_n3A, %select_n3A_39, %dma_start3A_63] : memref<16x4x2048xf32, #tpu.memory_space<hbm>> -> memref<1x1x2048xf32, #tpu.memory_space<hbm>>
    %dma_start3A_65 = tpu.memref_squeeze %dma_start3A_64 : memref<1x1x2048xf32, #tpu.memory_space<hbm>> -> memref<2048xf32, #tpu.memory_space<hbm>>
    tpu.enqueue_dma source(%dma_start3A_65 : memref<2048xf32, #tpu.memory_space<hbm>>) target(%dma_start3A_62 : memref<2048xf32, #tpu.memory_space<vmem>>) target_semaphore(%arg12 : memref<!tpu.dma_semaphore, #tpu.memory_space<semaphore_mem>>)
    %mul3A_66 = arith.constant 2 : i32
    %mul3A_67 = arith.muli %add3A, %mul3A_66 : i32
    %add3A_68 = arith.constant 1 : i32
    %add3A_69 = arith.addi %mul3A_67, %add3A_68 : i32
    %jit3A_70 = arith.constant 4 : i32
    %eq3A_71 = arith.constant 0 : i32
    %eq3A_72 = arith.cmpi eq, %jit3A_70, %eq3A_71 : i32
    %jit3A_73 = arith.constant 1 : i32
    %select_n3A_74 = arith.select %eq3A_72, %jit3A_73, %jit3A_70 : i32
    %rem3A_75 = arith.remsi %add3A_69, %select_n3A_74 : i32
    %ne3A_76 = arith.constant 0 : i32
    %ne3A_77 = arith.cmpi ne, %rem3A_75, %ne3A_76 : i32
    %lt3A_78 = arith.constant 0 : i32
    %lt3A_79 = arith.cmpi slt, %rem3A_75, %lt3A_78 : i32
    %lt3A_80 = arith.constant 0 : i32
    %lt3A_81 = arith.cmpi slt, %select_n3A_74, %lt3A_80 : i32
    %ne3A_82 = arith.xori %lt3A_79, %lt3A_81 : i1
    %and3A_83 = arith.andi %ne3A_82, %ne3A_77 : i1
    %add3A_84 = arith.addi %rem3A_75, %select_n3A_74 : i32
    %select_n3A_85 = arith.select %and3A_83, %add3A_84, %rem3A_75 : i32
    %dma_start3A_86 = arith.constant 1 : i32
    %dma_start3A_87 = arith.constant 0 : i32
    %dma_start3A_88 = tpu.memref_slice %arg9[%dma_start3A_86, %dma_start3A_87] : memref<2x2048xi32, #tpu.memory_space<vmem>> -> memref<1x2048xi32, #tpu.memory_space<vmem>>
    %dma_start3A_89 = tpu.memref_squeeze %dma_start3A_88 : memref<1x2048xi32, #tpu.memory_space<vmem>> -> memref<2048xi32, #tpu.memory_space<vmem>>
    %dma_start3A_90 = arith.constant 0 : i32
    %dma_start3A_91 = tpu.memref_slice %arg3[%select_n3A, %select_n3A_85, %dma_start3A_90] : memref<16x4x2048xi32, #tpu.memory_space<hbm>> -> memref<1x1x2048xi32, #tpu.memory_space<hbm>>
    %dma_start3A_92 = tpu.memref_squeeze %dma_start3A_91 : memref<1x1x2048xi32, #tpu.memory_space<hbm>> -> memref<2048xi32, #tpu.memory_space<hbm>>
    %dma_start3A_93 = arith.constant 0 : i32
    %dma_start3A_94 = tpu.memref_slice %arg9[%dma_start3A_86, %dma_start3A_93] : memref<2x2048xi32, #tpu.memory_space<vmem>> -> memref<1x2048xi32, #tpu.memory_space<vmem>>
    %dma_start3A_95 = tpu.memref_squeeze %dma_start3A_94 : memref<1x2048xi32, #tpu.memory_space<vmem>> -> memref<2048xi32, #tpu.memory_space<vmem>>
    %dma_start3A_96 = arith.constant 0 : i32
    %dma_start3A_97 = tpu.memref_slice %arg3[%select_n3A, %select_n3A_85, %dma_start3A_96] : memref<16x4x2048xi32, #tpu.memory_space<hbm>> -> memref<1x1x2048xi32, #tpu.memory_space<hbm>>
    %dma_start3A_98 = tpu.memref_squeeze %dma_start3A_97 : memref<1x1x2048xi32, #tpu.memory_space<hbm>> -> memref<2048xi32, #tpu.memory_space<hbm>>
    tpu.enqueue_dma source(%dma_start3A_98 : memref<2048xi32, #tpu.memory_space<hbm>>) target(%dma_start3A_95 : memref<2048xi32, #tpu.memory_space<vmem>>) target_semaphore(%arg12 : memref<!tpu.dma_semaphore, #tpu.memory_space<semaphore_mem>>)
    %dma_start3A_99 = arith.constant 1 : i32
    %dma_start3A_100 = arith.constant 0 : i32
    %dma_start3A_101 = tpu.memref_slice %arg11[%dma_start3A_99, %dma_start3A_100] : memref<2x2048xf32, #tpu.memory_space<vmem>> -> memref<1x2048xf32, #tpu.memory_space<vmem>>
    %dma_start3A_102 = tpu.memref_squeeze %dma_start3A_101 : memref<1x2048xf32, #tpu.memory_space<vmem>> -> memref<2048xf32, #tpu.memory_space<vmem>>
    %dma_start3A_103 = arith.constant 0 : i32
    %dma_start3A_104 = tpu.memref_slice %arg4[%select_n3A, %select_n3A_85, %dma_start3A_103] : memref<16x4x2048xf32, #tpu.memory_space<hbm>> -> memref<1x1x2048xf32, #tpu.memory_space<hbm>>
    %dma_start3A_105 = tpu.memref_squeeze %dma_start3A_104 : memref<1x1x2048xf32, #tpu.memory_space<hbm>> -> memref<2048xf32, #tpu.memory_space<hbm>>
    %dma_start3A_106 = arith.constant 0 : i32
    %dma_start3A_107 = tpu.memref_slice %arg11[%dma_start3A_99, %dma_start3A_106] : memref<2x2048xf32, #tpu.memory_space<vmem>> -> memref<1x2048xf32, #tpu.memory_space<vmem>>
    %dma_start3A_108 = tpu.memref_squeeze %dma_start3A_107 : memref<1x2048xf32, #tpu.memory_space<vmem>> -> memref<2048xf32, #tpu.memory_space<vmem>>
    %dma_start3A_109 = arith.constant 0 : i32
    %dma_start3A_110 = tpu.memref_slice %arg4[%select_n3A, %select_n3A_85, %dma_start3A_109] : memref<16x4x2048xf32, #tpu.memory_space<hbm>> -> memref<1x1x2048xf32, #tpu.memory_space<hbm>>
    %dma_start3A_111 = tpu.memref_squeeze %dma_start3A_110 : memref<1x1x2048xf32, #tpu.memory_space<hbm>> -> memref<2048xf32, #tpu.memory_space<hbm>>
    tpu.enqueue_dma source(%dma_start3A_111 : memref<2048xf32, #tpu.memory_space<hbm>>) target(%dma_start3A_108 : memref<2048xf32, #tpu.memory_space<vmem>>) target_semaphore(%arg12 : memref<!tpu.dma_semaphore, #tpu.memory_space<semaphore_mem>>)
    tpu.enqueue_dma source(%arg5 : memref<64xi32, #tpu.memory_space<hbm>>) target(%arg15 : memref<64xi32, #tpu.memory_space<vmem>>) target_semaphore(%arg12 : memref<!tpu.dma_semaphore, #tpu.memory_space<semaphore_mem>>)
    %dma_wait3A = arith.constant 0 : i32
    %dma_wait3A_112 = tpu.memref_slice %arg2[%select_n3A, %dma_wait3A] : memref<16x32768xf32, #tpu.memory_space<hbm>> -> memref<1x32768xf32, #tpu.memory_space<hbm>>
    %dma_wait3A_113 = tpu.memref_squeeze %dma_wait3A_112 : memref<1x32768xf32, #tpu.memory_space<hbm>> -> memref<32768xf32, #tpu.memory_space<hbm>>
    %dma_wait3A_114 = arith.constant 0 : i32
    %dma_wait3A_115 = tpu.memref_slice %arg2[%select_n3A, %dma_wait3A_114] : memref<16x32768xf32, #tpu.memory_space<hbm>> -> memref<1x32768xf32, #tpu.memory_space<hbm>>
    %dma_wait3A_116 = tpu.memref_squeeze %dma_wait3A_115 : memref<1x32768xf32, #tpu.memory_space<hbm>> -> memref<32768xf32, #tpu.memory_space<hbm>>
    tpu.wait_dma2 semaphore(%arg12 : memref<!tpu.dma_semaphore, #tpu.memory_space<semaphore_mem>>) src(%dma_wait3A_116 : memref<32768xf32, #tpu.memory_space<hbm>>) dst(%arg8 : memref<32768xf32, #tpu.memory_space<vmem>>)
    %dma_wait3A_117 = arith.constant 0 : i32
    %dma_wait3A_118 = arith.constant 0 : i32
    %dma_wait3A_119 = tpu.memref_slice %arg9[%dma_wait3A_117, %dma_wait3A_118] : memref<2x2048xi32, #tpu.memory_space<vmem>> -> memref<1x2048xi32, #tpu.memory_space<vmem>>
    %dma_wait3A_120 = tpu.memref_squeeze %dma_wait3A_119 : memref<1x2048xi32, #tpu.memory_space<vmem>> -> memref<2048xi32, #tpu.memory_space<vmem>>
    %dma_wait3A_121 = arith.constant 0 : i32
    %dma_wait3A_122 = tpu.memref_slice %arg3[%select_n3A, %select_n3A_39, %dma_wait3A_121] : memref<16x4x2048xi32, #tpu.memory_space<hbm>> -> memref<1x1x2048xi32, #tpu.memory_space<hbm>>
    %dma_wait3A_123 = tpu.memref_squeeze %dma_wait3A_122 : memref<1x1x2048xi32, #tpu.memory_space<hbm>> -> memref<2048xi32, #tpu.memory_space<hbm>>
    %dma_wait3A_124 = arith.constant 0 : i32
    %dma_wait3A_125 = tpu.memref_slice %arg9[%dma_wait3A_117, %dma_wait3A_124] : memref<2x2048xi32, #tpu.memory_space<vmem>> -> memref<1x2048xi32, #tpu.memory_space<vmem>>
    %dma_wait3A_126 = tpu.memref_squeeze %dma_wait3A_125 : memref<1x2048xi32, #tpu.memory_space<vmem>> -> memref<2048xi32, #tpu.memory_space<vmem>>
    %dma_wait3A_127 = arith.constant 0 : i32
    %dma_wait3A_128 = tpu.memref_slice %arg3[%select_n3A, %select_n3A_39, %dma_wait3A_127] : memref<16x4x2048xi32, #tpu.memory_space<hbm>> -> memref<1x1x2048xi32, #tpu.memory_space<hbm>>
    %dma_wait3A_129 = tpu.memref_squeeze %dma_wait3A_128 : memref<1x1x2048xi32, #tpu.memory_space<hbm>> -> memref<2048xi32, #tpu.memory_space<hbm>>
    tpu.wait_dma2 semaphore(%arg12 : memref<!tpu.dma_semaphore, #tpu.memory_space<semaphore_mem>>) src(%dma_wait3A_129 : memref<2048xi32, #tpu.memory_space<hbm>>) dst(%dma_wait3A_126 : memref<2048xi32, #tpu.memory_space<vmem>>)
    %dma_wait3A_130 = arith.constant 0 : i32
    %dma_wait3A_131 = arith.constant 0 : i32
    %dma_wait3A_132 = tpu.memref_slice %arg11[%dma_wait3A_130, %dma_wait3A_131] : memref<2x2048xf32, #tpu.memory_space<vmem>> -> memref<1x2048xf32, #tpu.memory_space<vmem>>
    %dma_wait3A_133 = tpu.memref_squeeze %dma_wait3A_132 : memref<1x2048xf32, #tpu.memory_space<vmem>> -> memref<2048xf32, #tpu.memory_space<vmem>>
    %dma_wait3A_134 = arith.constant 0 : i32
    %dma_wait3A_135 = tpu.memref_slice %arg4[%select_n3A, %select_n3A_39, %dma_wait3A_134] : memref<16x4x2048xf32, #tpu.memory_space<hbm>> -> memref<1x1x2048xf32, #tpu.memory_space<hbm>>
    %dma_wait3A_136 = tpu.memref_squeeze %dma_wait3A_135 : memref<1x1x2048xf32, #tpu.memory_space<hbm>> -> memref<2048xf32, #tpu.memory_space<hbm>>
    %dma_wait3A_137 = arith.constant 0 : i32
    %dma_wait3A_138 = tpu.memref_slice %arg11[%dma_wait3A_130, %dma_wait3A_137] : memref<2x2048xf32, #tpu.memory_space<vmem>> -> memref<1x2048xf32, #tpu.memory_space<vmem>>
    %dma_wait3A_139 = tpu.memref_squeeze %dma_wait3A_138 : memref<1x2048xf32, #tpu.memory_space<vmem>> -> memref<2048xf32, #tpu.memory_space<vmem>>
    %dma_wait3A_140 = arith.constant 0 : i32
    %dma_wait3A_141 = tpu.memref_slice %arg4[%select_n3A, %select_n3A_39, %dma_wait3A_140] : memref<16x4x2048xf32, #tpu.memory_space<hbm>> -> memref<1x1x2048xf32, #tpu.memory_space<hbm>>
    %dma_wait3A_142 = tpu.memref_squeeze %dma_wait3A_141 : memref<1x1x2048xf32, #tpu.memory_space<hbm>> -> memref<2048xf32, #tpu.memory_space<hbm>>
    tpu.wait_dma2 semaphore(%arg12 : memref<!tpu.dma_semaphore, #tpu.memory_space<semaphore_mem>>) src(%dma_wait3A_142 : memref<2048xf32, #tpu.memory_space<hbm>>) dst(%dma_wait3A_139 : memref<2048xf32, #tpu.memory_space<vmem>>)
    %dma_wait3A_143 = arith.constant 1 : i32
    %dma_wait3A_144 = arith.constant 0 : i32
    %dma_wait3A_145 = tpu.memref_slice %arg9[%dma_wait3A_143, %dma_wait3A_144] : memref<2x2048xi32, #tpu.memory_space<vmem>> -> memref<1x2048xi32, #tpu.memory_space<vmem>>
    %dma_wait3A_146 = tpu.memref_squeeze %dma_wait3A_145 : memref<1x2048xi32, #tpu.memory_space<vmem>> -> memref<2048xi32, #tpu.memory_space<vmem>>
    %dma_wait3A_147 = arith.constant 0 : i32
    %dma_wait3A_148 = tpu.memref_slice %arg3[%select_n3A, %select_n3A_85, %dma_wait3A_147] : memref<16x4x2048xi32, #tpu.memory_space<hbm>> -> memref<1x1x2048xi32, #tpu.memory_space<hbm>>
    %dma_wait3A_149 = tpu.memref_squeeze %dma_wait3A_148 : memref<1x1x2048xi32, #tpu.memory_space<hbm>> -> memref<2048xi32, #tpu.memory_space<hbm>>
    %dma_wait3A_150 = arith.constant 0 : i32
    %dma_wait3A_151 = tpu.memref_slice %arg9[%dma_wait3A_143, %dma_wait3A_150] : memref<2x2048xi32, #tpu.memory_space<vmem>> -> memref<1x2048xi32, #tpu.memory_space<vmem>>
    %dma_wait3A_152 = tpu.memref_squeeze %dma_wait3A_151 : memref<1x2048xi32, #tpu.memory_space<vmem>> -> memref<2048xi32, #tpu.memory_space<vmem>>
    %dma_wait3A_153 = arith.constant 0 : i32
    %dma_wait3A_154 = tpu.memref_slice %arg3[%select_n3A, %select_n3A_85, %dma_wait3A_153] : memref<16x4x2048xi32, #tpu.memory_space<hbm>> -> memref<1x1x2048xi32, #tpu.memory_space<hbm>>
    %dma_wait3A_155 = tpu.memref_squeeze %dma_wait3A_154 : memref<1x1x2048xi32, #tpu.memory_space<hbm>> -> memref<2048xi32, #tpu.memory_space<hbm>>
    tpu.wait_dma2 semaphore(%arg12 : memref<!tpu.dma_semaphore, #tpu.memory_space<semaphore_mem>>) src(%dma_wait3A_155 : memref<2048xi32, #tpu.memory_space<hbm>>) dst(%dma_wait3A_152 : memref<2048xi32, #tpu.memory_space<vmem>>)
    %dma_wait3A_156 = arith.constant 1 : i32
    %dma_wait3A_157 = arith.constant 0 : i32
    %dma_wait3A_158 = tpu.memref_slice %arg11[%dma_wait3A_156, %dma_wait3A_157] : memref<2x2048xf32, #tpu.memory_space<vmem>> -> memref<1x2048xf32, #tpu.memory_space<vmem>>
    %dma_wait3A_159 = tpu.memref_squeeze %dma_wait3A_158 : memref<1x2048xf32, #tpu.memory_space<vmem>> -> memref<2048xf32, #tpu.memory_space<vmem>>
    %dma_wait3A_160 = arith.constant 0 : i32
    %dma_wait3A_161 = tpu.memref_slice %arg4[%select_n3A, %select_n3A_85, %dma_wait3A_160] : memref<16x4x2048xf32, #tpu.memory_space<hbm>> -> memref<1x1x2048xf32, #tpu.memory_space<hbm>>
    %dma_wait3A_162 = tpu.memref_squeeze %dma_wait3A_161 : memref<1x1x2048xf32, #tpu.memory_space<hbm>> -> memref<2048xf32, #tpu.memory_space<hbm>>
    %dma_wait3A_163 = arith.constant 0 : i32
    %dma_wait3A_164 = tpu.memref_slice %arg11[%dma_wait3A_156, %dma_wait3A_163] : memref<2x2048xf32, #tpu.memory_space<vmem>> -> memref<1x2048xf32, #tpu.memory_space<vmem>>
    %dma_wait3A_165 = tpu.memref_squeeze %dma_wait3A_164 : memref<1x2048xf32, #tpu.memory_space<vmem>> -> memref<2048xf32, #tpu.memory_space<vmem>>
    %dma_wait3A_166 = arith.constant 0 : i32
    %dma_wait3A_167 = tpu.memref_slice %arg4[%select_n3A, %select_n3A_85, %dma_wait3A_166] : memref<16x4x2048xf32, #tpu.memory_space<hbm>> -> memref<1x1x2048xf32, #tpu.memory_space<hbm>>
    %dma_wait3A_168 = tpu.memref_squeeze %dma_wait3A_167 : memref<1x1x2048xf32, #tpu.memory_space<hbm>> -> memref<2048xf32, #tpu.memory_space<hbm>>
    tpu.wait_dma2 semaphore(%arg12 : memref<!tpu.dma_semaphore, #tpu.memory_space<semaphore_mem>>) src(%dma_wait3A_168 : memref<2048xf32, #tpu.memory_space<hbm>>) dst(%dma_wait3A_165 : memref<2048xf32, #tpu.memory_space<vmem>>)
    tpu.wait_dma2 semaphore(%arg12 : memref<!tpu.dma_semaphore, #tpu.memory_space<semaphore_mem>>) src(%arg5 : memref<64xi32, #tpu.memory_space<hbm>>) dst(%arg15 : memref<64xi32, #tpu.memory_space<vmem>>)
    %iota3A = tpu.iota {dimensions = array<i32: 0>} : vector<16xi32>
    %broadcast_in_dim3A = arith.constant -1.000000e+09 : f32
    %broadcast_in_dim3A_169 = vector.broadcast %broadcast_in_dim3A : f32 to vector<16xf32>
    %broadcast_in_dim3A_170 = arith.constant 0 : i32
    %broadcast_in_dim3A_171 = vector.broadcast %broadcast_in_dim3A_170 : i32 to vector<16xi32>
    %mul3A_172 = arith.constant 2 : i32
    %mul3A_173 = arith.muli %add3A, %mul3A_172 : i32
    %add3A_174 = arith.constant 0 : i32
    %add3A_175 = arith.addi %mul3A_173, %add3A_174 : i32
    %jit3A_176 = arith.constant 4 : i32
    %eq3A_177 = arith.constant 0 : i32
    %eq3A_178 = arith.cmpi eq, %jit3A_176, %eq3A_177 : i32
    %jit3A_179 = arith.constant 1 : i32
    %select_n3A_180 = arith.select %eq3A_178, %jit3A_179, %jit3A_176 : i32
    %rem3A_181 = arith.remsi %add3A_175, %select_n3A_180 : i32
    %ne3A_182 = arith.constant 0 : i32
    %ne3A_183 = arith.cmpi ne, %rem3A_181, %ne3A_182 : i32
    %lt3A_184 = arith.constant 0 : i32
    %lt3A_185 = arith.cmpi slt, %rem3A_181, %lt3A_184 : i32
    %lt3A_186 = arith.constant 0 : i32
    %lt3A_187 = arith.cmpi slt, %select_n3A_180, %lt3A_186 : i32
    %ne3A_188 = arith.xori %lt3A_185, %lt3A_187 : i1
    %and3A_189 = arith.andi %ne3A_188, %ne3A_183 : i1
    %add3A_190 = arith.addi %rem3A_181, %select_n3A_180 : i32
    %select_n3A_191 = arith.select %and3A_189, %add3A_190, %rem3A_181 : i32
    %broadcast_in_dim3A_192 = vector.broadcast %add3A_175 : i32 to vector<16xi32>
    %gather3A = tpu.vector_load_idx %arg15[%broadcast_in_dim3A_192] : memref<64xi32, #tpu.memory_space<vmem>>[vector<16xi32>], vector<16xi32>,
    %broadcast_in_dim3A_193 = arith.constant 0xFF800000 : f32
    %broadcast_in_dim3A_194 = vector.broadcast %broadcast_in_dim3A_193 : f32 to vector<16xf32>
    %broadcast_in_dim3A_195 = arith.constant 0 : i32
    %broadcast_in_dim3A_196 = vector.broadcast %broadcast_in_dim3A_195 : i32 to vector<16xi32>
    %scan3A = arith.constant 0 : i32
    %scan3A_197 = arith.constant 128 : i32
    %scan3A_198 = arith.addi %scan3A, %scan3A_197 : i32
    %scan3A_199 = arith.constant 1 : i32
    %scan3A_200:2 = scf.for %scan3A_379 = %scan3A to %scan3A_198 step %scan3A_199 iter_args(%scan3A_380 = %broadcast_in_dim3A_194, %scan3A_381 = %broadcast_in_dim3A_196) -> (vector<16xf32>, vector<16xi32>)  : i32 {
      %mul3A_382 = arith.constant 16 : i32
      %mul3A_383 = arith.muli %scan3A_379, %mul3A_382 : i32
      %get3A = arith.constant 0 : i32
      %get3A_384 = arith.index_cast %get3A : i32 to index
      %get3A_385 = arith.index_cast %mul3A_383 : i32 to index
      %get3A_386 = tpu.vector_load %arg9[%get3A_384, %get3A_385] {strides = array<i32>} : memref<2x2048xi32, #tpu.memory_space<vmem>>, vector<16xi32>,
      %sub3A_387 = arith.constant 32768 : i32
      %sub3A_388 = vector.broadcast %sub3A_387 : i32 to vector<16xi32>
      %sub3A_389 = arith.subi %get3A_386, %sub3A_388 : vector<16xi32>
      %ge3A = arith.constant 32768 : i32
      %ge3A_390 = vector.broadcast %ge3A : i32 to vector<16xi32>
      %ge3A_391 = arith.cmpi sge, %get3A_386, %ge3A_390 : vector<16xi32>
      %lt3A_392 = arith.constant 32768 : i32
      %lt3A_393 = vector.broadcast %lt3A_392 : i32 to vector<16xi32>
      %lt3A_394 = arith.cmpi slt, %sub3A_389, %lt3A_393 : vector<16xi32>
      %and3A_395 = arith.andi %ge3A_391, %lt3A_394 : vector<16xi1>
      %select_n3A_396 = arith.select %and3A_395, %sub3A_389, %broadcast_in_dim3A_171 : vector<16xi1>, vector<16xi32>
      %gather3A_397 = tpu.vector_load_idx %arg8[%select_n3A_396] : memref<32768xf32, #tpu.memory_space<vmem>>[vector<16xi32>], vector<16xf32>,
      %mul3A_398 = arith.constant 16 : i32
      %mul3A_399 = arith.muli %scan3A_379, %mul3A_398 : i32
      %get3A_400 = arith.constant 0 : i32
      %get3A_401 = arith.index_cast %get3A_400 : i32 to index
      %get3A_402 = arith.index_cast %mul3A_399 : i32 to index
      %get3A_403 = tpu.vector_load %arg11[%get3A_401, %get3A_402] {strides = array<i32>} : memref<2x2048xf32, #tpu.memory_space<vmem>>, vector<16xf32>,
      %select_n3A_404 = arith.select %and3A_395, %gather3A_397, %get3A_403 : vector<16xi1>, vector<16xf32>
      %mul3A_405 = arith.constant 16 : i32
      %mul3A_406 = arith.muli %scan3A_379, %mul3A_405 : i32
      %swap3A_407 = arith.constant 0 : i32
      %swap3A_408 = arith.index_cast %swap3A_407 : i32 to index
      %swap3A_409 = arith.index_cast %mul3A_406 : i32 to index
      %swap3A_410 = tpu.vector_load %arg10[%swap3A_408, %swap3A_409] {strides = array<i32>} : memref<2x2048xf32, #tpu.memory_space<vmem>>, vector<16xf32>,
      tpu.vector_store %arg10[%swap3A_408, %swap3A_409], %select_n3A_404 {strides = array<i32>} : memref<2x2048xf32, #tpu.memory_space<vmem>>, vector<16xf32>,
      %mul3A_411 = arith.constant 16 : i32
      %mul3A_412 = arith.muli %scan3A_379, %mul3A_411 : i32
      %add3A_413 = vector.broadcast %mul3A_412 : i32 to vector<16xi32>
      %add3A_414 = arith.addi %iota3A, %add3A_413 : vector<16xi32>
      %lt3A_415 = arith.cmpi slt, %add3A_414, %gather3A : vector<16xi32>
      %select_n3A_416 = arith.select %lt3A_415, %select_n3A_404, %broadcast_in_dim3A_169 : vector<16xi1>, vector<16xf32>
      %gt3A = arith.cmpf ogt, %select_n3A_416, %scan3A_380 : vector<16xf32>
      %select_n3A_417 = arith.select %gt3A, %select_n3A_416, %scan3A_380 : vector<16xi1>, vector<16xf32>
      %select_n3A_418 = arith.select %gt3A, %add3A_414, %scan3A_381 : vector<16xi1>, vector<16xi32>
      scf.yield %select_n3A_417, %select_n3A_418 : vector<16xf32>, vector<16xi32>
    }
    %scan3A_201 = arith.constant 128 : i32
    %reduce_max3A = arith.constant true
    %reduce_max3A_202 = vector.broadcast %reduce_max3A : i1 to vector<16xi1>
    %reduce_max3A_203 = tpu.scan <max>, %scan3A_200#0 masked %reduce_max3A_202 : vector<16xf32>, vector<16xi1> -> vector<16xf32>
    %reduce_max3A_204 = vector.extract %reduce_max3A_203[15] : f32 from vector<16xf32>
    %eq3A_205 = vector.broadcast %reduce_max3A_204 : f32 to vector<16xf32>
    %eq3A_206 = arith.cmpf oeq, %scan3A_200#0, %eq3A_205 : vector<16xf32>
    %jit3A_207 = arith.constant 2048 : i32
    %broadcast_in_dim3A_208 = vector.broadcast %jit3A_207 : i32 to vector<16xi32>
    %select_n3A_209 = arith.select %eq3A_206, %scan3A_200#1, %broadcast_in_dim3A_208 : vector<16xi1>, vector<16xi32>
    %reduce_min3A = arith.constant true
    %reduce_min3A_210 = vector.broadcast %reduce_min3A : i1 to vector<16xi1>
    %reduce_min3A_211 = arith.constant -2147483648 : i32
    %reduce_min3A_212 = vector.broadcast %reduce_min3A_211 : i32 to vector<16xi32>
    %reduce_min3A_213 = arith.xori %select_n3A_209, %reduce_min3A_212 : vector<16xi32>
    %reduce_min3A_214 = tpu.scan <min>, %reduce_min3A_213 masked %reduce_min3A_210 : vector<16xi32>, vector<16xi1> -> vector<16xi32>
    %reduce_min3A_215 = arith.xori %reduce_min3A_214, %reduce_min3A_212 : vector<16xi32>
    %reduce_min3A_216 = vector.extract %reduce_min3A_215[15] : i32 from vector<16xi32>
    %broadcast_in_dim3A_217 = vector.broadcast %reduce_min3A_216 : i32 to vector<16xi32>
    %swap3A = arith.constant 0 : i32
    %swap3A_218 = arith.index_cast %swap3A : i32 to index
    %swap3A_219 = arith.constant 0 : index
    %swap3A_220 = tpu.vector_load %arg14[%swap3A_218, %swap3A_219] {strides = array<i32>} : memref<2x16xi32, #tpu.memory_space<vmem>>, vector<16xi32>,
    tpu.vector_store %arg14[%swap3A_218, %swap3A_219], %broadcast_in_dim3A_217 {strides = array<i32>} : memref<2x16xi32, #tpu.memory_space<vmem>>, vector<16xi32>,
    %dma_start3A_221 = arith.constant 0 : i32
    %dma_start3A_222 = arith.constant 0 : i32
    %dma_start3A_223 = tpu.memref_slice %arg14[%dma_start3A_221, %dma_start3A_222] : memref<2x16xi32, #tpu.memory_space<vmem>> -> memref<1x16xi32, #tpu.memory_space<vmem>>
    %dma_start3A_224 = tpu.memref_squeeze %dma_start3A_223 : memref<1x16xi32, #tpu.memory_space<vmem>> -> memref<16xi32, #tpu.memory_space<vmem>>
    %dma_start3A_225 = arith.constant 0 : i32
    %dma_start3A_226 = tpu.memref_slice %arg7[%add3A_175, %dma_start3A_225] : memref<64x16xi32, #tpu.memory_space<hbm>> -> memref<1x16xi32, #tpu.memory_space<hbm>>
    %dma_start3A_227 = tpu.memref_squeeze %dma_start3A_226 : memref<1x16xi32, #tpu.memory_space<hbm>> -> memref<16xi32, #tpu.memory_space<hbm>>
    %dma_start3A_228 = arith.constant 0 : i32
    %dma_start3A_229 = tpu.memref_slice %arg7[%add3A_175, %dma_start3A_228] : memref<64x16xi32, #tpu.memory_space<hbm>> -> memref<1x16xi32, #tpu.memory_space<hbm>>
    %dma_start3A_230 = tpu.memref_squeeze %dma_start3A_229 : memref<1x16xi32, #tpu.memory_space<hbm>> -> memref<16xi32, #tpu.memory_space<hbm>>
    %dma_start3A_231 = arith.constant 0 : i32
    %dma_start3A_232 = tpu.memref_slice %arg14[%dma_start3A_221, %dma_start3A_231] : memref<2x16xi32, #tpu.memory_space<vmem>> -> memref<1x16xi32, #tpu.memory_space<vmem>>
    %dma_start3A_233 = tpu.memref_squeeze %dma_start3A_232 : memref<1x16xi32, #tpu.memory_space<vmem>> -> memref<16xi32, #tpu.memory_space<vmem>>
    tpu.enqueue_dma source(%dma_start3A_233 : memref<16xi32, #tpu.memory_space<vmem>>) target(%dma_start3A_230 : memref<16xi32, #tpu.memory_space<hbm>>) target_semaphore(%arg13 : memref<!tpu.dma_semaphore, #tpu.memory_space<semaphore_mem>>)
    %dma_start3A_234 = arith.constant 0 : i32
    %dma_start3A_235 = arith.constant 0 : i32
    %dma_start3A_236 = tpu.memref_slice %arg10[%dma_start3A_234, %dma_start3A_235] : memref<2x2048xf32, #tpu.memory_space<vmem>> -> memref<1x2048xf32, #tpu.memory_space<vmem>>
    %dma_start3A_237 = tpu.memref_squeeze %dma_start3A_236 : memref<1x2048xf32, #tpu.memory_space<vmem>> -> memref<2048xf32, #tpu.memory_space<vmem>>
    %dma_start3A_238 = arith.constant 0 : i32
    %dma_start3A_239 = tpu.memref_slice %arg6[%select_n3A, %select_n3A_191, %dma_start3A_238] : memref<16x4x2048xf32, #tpu.memory_space<hbm>> -> memref<1x1x2048xf32, #tpu.memory_space<hbm>>
    %dma_start3A_240 = tpu.memref_squeeze %dma_start3A_239 : memref<1x1x2048xf32, #tpu.memory_space<hbm>> -> memref<2048xf32, #tpu.memory_space<hbm>>
    %dma_start3A_241 = arith.constant 0 : i32
    %dma_start3A_242 = tpu.memref_slice %arg6[%select_n3A, %select_n3A_191, %dma_start3A_241] : memref<16x4x2048xf32, #tpu.memory_space<hbm>> -> memref<1x1x2048xf32, #tpu.memory_space<hbm>>
    %dma_start3A_243 = tpu.memref_squeeze %dma_start3A_242 : memref<1x1x2048xf32, #tpu.memory_space<hbm>> -> memref<2048xf32, #tpu.memory_space<hbm>>
    %dma_start3A_244 = arith.constant 0 : i32
    %dma_start3A_245 = tpu.memref_slice %arg10[%dma_start3A_234, %dma_start3A_244] : memref<2x2048xf32, #tpu.memory_space<vmem>> -> memref<1x2048xf32, #tpu.memory_space<vmem>>
    %dma_start3A_246 = tpu.memref_squeeze %dma_start3A_245 : memref<1x2048xf32, #tpu.memory_space<vmem>> -> memref<2048xf32, #tpu.memory_space<vmem>>
    tpu.enqueue_dma source(%dma_start3A_246 : memref<2048xf32, #tpu.memory_space<vmem>>) target(%dma_start3A_243 : memref<2048xf32, #tpu.memory_space<hbm>>) target_semaphore(%arg13 : memref<!tpu.dma_semaphore, #tpu.memory_space<semaphore_mem>>)
    %mul3A_247 = arith.constant 2 : i32
    %mul3A_248 = arith.muli %add3A, %mul3A_247 : i32
    %add3A_249 = arith.constant 1 : i32
    %add3A_250 = arith.addi %mul3A_248, %add3A_249 : i32
    %jit3A_251 = arith.constant 4 : i32
    %eq3A_252 = arith.constant 0 : i32
    %eq3A_253 = arith.cmpi eq, %jit3A_251, %eq3A_252 : i32
    %jit3A_254 = arith.constant 1 : i32
    %select_n3A_255 = arith.select %eq3A_253, %jit3A_254, %jit3A_251 : i32
    %rem3A_256 = arith.remsi %add3A_250, %select_n3A_255 : i32
    %ne3A_257 = arith.constant 0 : i32
    %ne3A_258 = arith.cmpi ne, %rem3A_256, %ne3A_257 : i32
    %lt3A_259 = arith.constant 0 : i32
    %lt3A_260 = arith.cmpi slt, %rem3A_256, %lt3A_259 : i32
    %lt3A_261 = arith.constant 0 : i32
    %lt3A_262 = arith.cmpi slt, %select_n3A_255, %lt3A_261 : i32
    %ne3A_263 = arith.xori %lt3A_260, %lt3A_262 : i1
    %and3A_264 = arith.andi %ne3A_263, %ne3A_258 : i1
    %add3A_265 = arith.addi %rem3A_256, %select_n3A_255 : i32
    %select_n3A_266 = arith.select %and3A_264, %add3A_265, %rem3A_256 : i32
    %broadcast_in_dim3A_267 = vector.broadcast %add3A_250 : i32 to vector<16xi32>
    %gather3A_268 = tpu.vector_load_idx %arg15[%broadcast_in_dim3A_267] : memref<64xi32, #tpu.memory_space<vmem>>[vector<16xi32>], vector<16xi32>,
    %broadcast_in_dim3A_269 = arith.constant 0xFF800000 : f32
    %broadcast_in_dim3A_270 = vector.broadcast %broadcast_in_dim3A_269 : f32 to vector<16xf32>
    %broadcast_in_dim3A_271 = arith.constant 0 : i32
    %broadcast_in_dim3A_272 = vector.broadcast %broadcast_in_dim3A_271 : i32 to vector<16xi32>
    %scan3A_273 = arith.constant 0 : i32
    %scan3A_274 = arith.constant 128 : i32
    %scan3A_275 = arith.addi %scan3A_273, %scan3A_274 : i32
    %scan3A_276 = arith.constant 1 : i32
    %scan3A_277:2 = scf.for %scan3A_379 = %scan3A_273 to %scan3A_275 step %scan3A_276 iter_args(%scan3A_380 = %broadcast_in_dim3A_270, %scan3A_381 = %broadcast_in_dim3A_272) -> (vector<16xf32>, vector<16xi32>)  : i32 {
      %mul3A_382 = arith.constant 16 : i32
      %mul3A_383 = arith.muli %scan3A_379, %mul3A_382 : i32
      %get3A = arith.constant 1 : i32
      %get3A_384 = arith.index_cast %get3A : i32 to index
      %get3A_385 = arith.index_cast %mul3A_383 : i32 to index
      %get3A_386 = tpu.vector_load %arg9[%get3A_384, %get3A_385] {strides = array<i32>} : memref<2x2048xi32, #tpu.memory_space<vmem>>, vector<16xi32>,
      %sub3A_387 = arith.constant 32768 : i32
      %sub3A_388 = vector.broadcast %sub3A_387 : i32 to vector<16xi32>
      %sub3A_389 = arith.subi %get3A_386, %sub3A_388 : vector<16xi32>
      %ge3A = arith.constant 32768 : i32
      %ge3A_390 = vector.broadcast %ge3A : i32 to vector<16xi32>
      %ge3A_391 = arith.cmpi sge, %get3A_386, %ge3A_390 : vector<16xi32>
      %lt3A_392 = arith.constant 32768 : i32
      %lt3A_393 = vector.broadcast %lt3A_392 : i32 to vector<16xi32>
      %lt3A_394 = arith.cmpi slt, %sub3A_389, %lt3A_393 : vector<16xi32>
      %and3A_395 = arith.andi %ge3A_391, %lt3A_394 : vector<16xi1>
      %select_n3A_396 = arith.select %and3A_395, %sub3A_389, %broadcast_in_dim3A_171 : vector<16xi1>, vector<16xi32>
      %gather3A_397 = tpu.vector_load_idx %arg8[%select_n3A_396] : memref<32768xf32, #tpu.memory_space<vmem>>[vector<16xi32>], vector<16xf32>,
      %mul3A_398 = arith.constant 16 : i32
      %mul3A_399 = arith.muli %scan3A_379, %mul3A_398 : i32
      %get3A_400 = arith.constant 1 : i32
      %get3A_401 = arith.index_cast %get3A_400 : i32 to index
      %get3A_402 = arith.index_cast %mul3A_399 : i32 to index
      %get3A_403 = tpu.vector_load %arg11[%get3A_401, %get3A_402] {strides = array<i32>} : memref<2x2048xf32, #tpu.memory_space<vmem>>, vector<16xf32>,
      %select_n3A_404 = arith.select %and3A_395, %gather3A_397, %get3A_403 : vector<16xi1>, vector<16xf32>
      %mul3A_405 = arith.constant 16 : i32
      %mul3A_406 = arith.muli %scan3A_379, %mul3A_405 : i32
      %swap3A_407 = arith.constant 1 : i32
      %swap3A_408 = arith.index_cast %swap3A_407 : i32 to index
      %swap3A_409 = arith.index_cast %mul3A_406 : i32 to index
      %swap3A_410 = tpu.vector_load %arg10[%swap3A_408, %swap3A_409] {strides = array<i32>} : memref<2x2048xf32, #tpu.memory_space<vmem>>, vector<16xf32>,
      tpu.vector_store %arg10[%swap3A_408, %swap3A_409], %select_n3A_404 {strides = array<i32>} : memref<2x2048xf32, #tpu.memory_space<vmem>>, vector<16xf32>,
      %mul3A_411 = arith.constant 16 : i32
      %mul3A_412 = arith.muli %scan3A_379, %mul3A_411 : i32
      %add3A_413 = vector.broadcast %mul3A_412 : i32 to vector<16xi32>
      %add3A_414 = arith.addi %iota3A, %add3A_413 : vector<16xi32>
      %lt3A_415 = arith.cmpi slt, %add3A_414, %gather3A_268 : vector<16xi32>
      %select_n3A_416 = arith.select %lt3A_415, %select_n3A_404, %broadcast_in_dim3A_169 : vector<16xi1>, vector<16xf32>
      %gt3A = arith.cmpf ogt, %select_n3A_416, %scan3A_380 : vector<16xf32>
      %select_n3A_417 = arith.select %gt3A, %select_n3A_416, %scan3A_380 : vector<16xi1>, vector<16xf32>
      %select_n3A_418 = arith.select %gt3A, %add3A_414, %scan3A_381 : vector<16xi1>, vector<16xi32>
      scf.yield %select_n3A_417, %select_n3A_418 : vector<16xf32>, vector<16xi32>
    }
    %scan3A_278 = arith.constant 128 : i32
    %reduce_max3A_279 = arith.constant true
    %reduce_max3A_280 = vector.broadcast %reduce_max3A_279 : i1 to vector<16xi1>
    %reduce_max3A_281 = tpu.scan <max>, %scan3A_277#0 masked %reduce_max3A_280 : vector<16xf32>, vector<16xi1> -> vector<16xf32>
    %reduce_max3A_282 = vector.extract %reduce_max3A_281[15] : f32 from vector<16xf32>
    %eq3A_283 = vector.broadcast %reduce_max3A_282 : f32 to vector<16xf32>
    %eq3A_284 = arith.cmpf oeq, %scan3A_277#0, %eq3A_283 : vector<16xf32>
    %jit3A_285 = arith.constant 2048 : i32
    %broadcast_in_dim3A_286 = vector.broadcast %jit3A_285 : i32 to vector<16xi32>
    %select_n3A_287 = arith.select %eq3A_284, %scan3A_277#1, %broadcast_in_dim3A_286 : vector<16xi1>, vector<16xi32>
    %reduce_min3A_288 = arith.constant true
    %reduce_min3A_289 = vector.broadcast %reduce_min3A_288 : i1 to vector<16xi1>
    %reduce_min3A_290 = arith.constant -2147483648 : i32
    %reduce_min3A_291 = vector.broadcast %reduce_min3A_290 : i32 to vector<16xi32>
    %reduce_min3A_292 = arith.xori %select_n3A_287, %reduce_min3A_291 : vector<16xi32>
    %reduce_min3A_293 = tpu.scan <min>, %reduce_min3A_292 masked %reduce_min3A_289 : vector<16xi32>, vector<16xi1> -> vector<16xi32>
    %reduce_min3A_294 = arith.xori %reduce_min3A_293, %reduce_min3A_291 : vector<16xi32>
    %reduce_min3A_295 = vector.extract %reduce_min3A_294[15] : i32 from vector<16xi32>
    %broadcast_in_dim3A_296 = vector.broadcast %reduce_min3A_295 : i32 to vector<16xi32>
    %swap3A_297 = arith.constant 1 : i32
    %swap3A_298 = arith.index_cast %swap3A_297 : i32 to index
    %swap3A_299 = arith.constant 0 : index
    %swap3A_300 = tpu.vector_load %arg14[%swap3A_298, %swap3A_299] {strides = array<i32>} : memref<2x16xi32, #tpu.memory_space<vmem>>, vector<16xi32>,
    tpu.vector_store %arg14[%swap3A_298, %swap3A_299], %broadcast_in_dim3A_296 {strides = array<i32>} : memref<2x16xi32, #tpu.memory_space<vmem>>, vector<16xi32>,
    %dma_start3A_301 = arith.constant 1 : i32
    %dma_start3A_302 = arith.constant 0 : i32
    %dma_start3A_303 = tpu.memref_slice %arg14[%dma_start3A_301, %dma_start3A_302] : memref<2x16xi32, #tpu.memory_space<vmem>> -> memref<1x16xi32, #tpu.memory_space<vmem>>
    %dma_start3A_304 = tpu.memref_squeeze %dma_start3A_303 : memref<1x16xi32, #tpu.memory_space<vmem>> -> memref<16xi32, #tpu.memory_space<vmem>>
    %dma_start3A_305 = arith.constant 0 : i32
    %dma_start3A_306 = tpu.memref_slice %arg7[%add3A_250, %dma_start3A_305] : memref<64x16xi32, #tpu.memory_space<hbm>> -> memref<1x16xi32, #tpu.memory_space<hbm>>
    %dma_start3A_307 = tpu.memref_squeeze %dma_start3A_306 : memref<1x16xi32, #tpu.memory_space<hbm>> -> memref<16xi32, #tpu.memory_space<hbm>>
    %dma_start3A_308 = arith.constant 0 : i32
    %dma_start3A_309 = tpu.memref_slice %arg7[%add3A_250, %dma_start3A_308] : memref<64x16xi32, #tpu.memory_space<hbm>> -> memref<1x16xi32, #tpu.memory_space<hbm>>
    %dma_start3A_310 = tpu.memref_squeeze %dma_start3A_309 : memref<1x16xi32, #tpu.memory_space<hbm>> -> memref<16xi32, #tpu.memory_space<hbm>>
    %dma_start3A_311 = arith.constant 0 : i32
    %dma_start3A_312 = tpu.memref_slice %arg14[%dma_start3A_301, %dma_start3A_311] : memref<2x16xi32, #tpu.memory_space<vmem>> -> memref<1x16xi32, #tpu.memory_space<vmem>>
    %dma_start3A_313 = tpu.memref_squeeze %dma_start3A_312 : memref<1x16xi32, #tpu.memory_space<vmem>> -> memref<16xi32, #tpu.memory_space<vmem>>
    tpu.enqueue_dma source(%dma_start3A_313 : memref<16xi32, #tpu.memory_space<vmem>>) target(%dma_start3A_310 : memref<16xi32, #tpu.memory_space<hbm>>) target_semaphore(%arg13 : memref<!tpu.dma_semaphore, #tpu.memory_space<semaphore_mem>>)
    %dma_start3A_314 = arith.constant 1 : i32
    %dma_start3A_315 = arith.constant 0 : i32
    %dma_start3A_316 = tpu.memref_slice %arg10[%dma_start3A_314, %dma_start3A_315] : memref<2x2048xf32, #tpu.memory_space<vmem>> -> memref<1x2048xf32, #tpu.memory_space<vmem>>
    %dma_start3A_317 = tpu.memref_squeeze %dma_start3A_316 : memref<1x2048xf32, #tpu.memory_space<vmem>> -> memref<2048xf32, #tpu.memory_space<vmem>>
    %dma_start3A_318 = arith.constant 0 : i32
    %dma_start3A_319 = tpu.memref_slice %arg6[%select_n3A, %select_n3A_266, %dma_start3A_318] : memref<16x4x2048xf32, #tpu.memory_space<hbm>> -> memref<1x1x2048xf32, #tpu.memory_space<hbm>>
    %dma_start3A_320 = tpu.memref_squeeze %dma_start3A_319 : memref<1x1x2048xf32, #tpu.memory_space<hbm>> -> memref<2048xf32, #tpu.memory_space<hbm>>
    %dma_start3A_321 = arith.constant 0 : i32
    %dma_start3A_322 = tpu.memref_slice %arg6[%select_n3A, %select_n3A_266, %dma_start3A_321] : memref<16x4x2048xf32, #tpu.memory_space<hbm>> -> memref<1x1x2048xf32, #tpu.memory_space<hbm>>
    %dma_start3A_323 = tpu.memref_squeeze %dma_start3A_322 : memref<1x1x2048xf32, #tpu.memory_space<hbm>> -> memref<2048xf32, #tpu.memory_space<hbm>>
    %dma_start3A_324 = arith.constant 0 : i32
    %dma_start3A_325 = tpu.memref_slice %arg10[%dma_start3A_314, %dma_start3A_324] : memref<2x2048xf32, #tpu.memory_space<vmem>> -> memref<1x2048xf32, #tpu.memory_space<vmem>>
    %dma_start3A_326 = tpu.memref_squeeze %dma_start3A_325 : memref<1x2048xf32, #tpu.memory_space<vmem>> -> memref<2048xf32, #tpu.memory_space<vmem>>
    tpu.enqueue_dma source(%dma_start3A_326 : memref<2048xf32, #tpu.memory_space<vmem>>) target(%dma_start3A_323 : memref<2048xf32, #tpu.memory_space<hbm>>) target_semaphore(%arg13 : memref<!tpu.dma_semaphore, #tpu.memory_space<semaphore_mem>>)
    %dma_wait3A_327 = arith.constant 0 : i32
    %dma_wait3A_328 = arith.constant 0 : i32
    %dma_wait3A_329 = tpu.memref_slice %arg14[%dma_wait3A_327, %dma_wait3A_328] : memref<2x16xi32, #tpu.memory_space<vmem>> -> memref<1x16xi32, #tpu.memory_space<vmem>>
    %dma_wait3A_330 = tpu.memref_squeeze %dma_wait3A_329 : memref<1x16xi32, #tpu.memory_space<vmem>> -> memref<16xi32, #tpu.memory_space<vmem>>
    %dma_wait3A_331 = arith.constant 0 : i32
    %dma_wait3A_332 = tpu.memref_slice %arg7[%add3A_175, %dma_wait3A_331] : memref<64x16xi32, #tpu.memory_space<hbm>> -> memref<1x16xi32, #tpu.memory_space<hbm>>
    %dma_wait3A_333 = tpu.memref_squeeze %dma_wait3A_332 : memref<1x16xi32, #tpu.memory_space<hbm>> -> memref<16xi32, #tpu.memory_space<hbm>>
    %dma_wait3A_334 = arith.constant 0 : i32
    %dma_wait3A_335 = tpu.memref_slice %arg7[%add3A_175, %dma_wait3A_334] : memref<64x16xi32, #tpu.memory_space<hbm>> -> memref<1x16xi32, #tpu.memory_space<hbm>>
    %dma_wait3A_336 = tpu.memref_squeeze %dma_wait3A_335 : memref<1x16xi32, #tpu.memory_space<hbm>> -> memref<16xi32, #tpu.memory_space<hbm>>
    %dma_wait3A_337 = arith.constant 0 : i32
    %dma_wait3A_338 = tpu.memref_slice %arg14[%dma_wait3A_327, %dma_wait3A_337] : memref<2x16xi32, #tpu.memory_space<vmem>> -> memref<1x16xi32, #tpu.memory_space<vmem>>
    %dma_wait3A_339 = tpu.memref_squeeze %dma_wait3A_338 : memref<1x16xi32, #tpu.memory_space<vmem>> -> memref<16xi32, #tpu.memory_space<vmem>>
    tpu.wait_dma2 semaphore(%arg13 : memref<!tpu.dma_semaphore, #tpu.memory_space<semaphore_mem>>) src(%dma_wait3A_339 : memref<16xi32, #tpu.memory_space<vmem>>) dst(%dma_wait3A_336 : memref<16xi32, #tpu.memory_space<hbm>>)
    %dma_wait3A_340 = arith.constant 0 : i32
    %dma_wait3A_341 = arith.constant 0 : i32
    %dma_wait3A_342 = tpu.memref_slice %arg10[%dma_wait3A_340, %dma_wait3A_341] : memref<2x2048xf32, #tpu.memory_space<vmem>> -> memref<1x2048xf32, #tpu.memory_space<vmem>>
    %dma_wait3A_343 = tpu.memref_squeeze %dma_wait3A_342 : memref<1x2048xf32, #tpu.memory_space<vmem>> -> memref<2048xf32, #tpu.memory_space<vmem>>
    %dma_wait3A_344 = arith.constant 0 : i32
    %dma_wait3A_345 = tpu.memref_slice %arg6[%select_n3A, %select_n3A_191, %dma_wait3A_344] : memref<16x4x2048xf32, #tpu.memory_space<hbm>> -> memref<1x1x2048xf32, #tpu.memory_space<hbm>>
    %dma_wait3A_346 = tpu.memref_squeeze %dma_wait3A_345 : memref<1x1x2048xf32, #tpu.memory_space<hbm>> -> memref<2048xf32, #tpu.memory_space<hbm>>
    %dma_wait3A_347 = arith.constant 0 : i32
    %dma_wait3A_348 = tpu.memref_slice %arg6[%select_n3A, %select_n3A_191, %dma_wait3A_347] : memref<16x4x2048xf32, #tpu.memory_space<hbm>> -> memref<1x1x2048xf32, #tpu.memory_space<hbm>>
    %dma_wait3A_349 = tpu.memref_squeeze %dma_wait3A_348 : memref<1x1x2048xf32, #tpu.memory_space<hbm>> -> memref<2048xf32, #tpu.memory_space<hbm>>
    %dma_wait3A_350 = arith.constant 0 : i32
    %dma_wait3A_351 = tpu.memref_slice %arg10[%dma_wait3A_340, %dma_wait3A_350] : memref<2x2048xf32, #tpu.memory_space<vmem>> -> memref<1x2048xf32, #tpu.memory_space<vmem>>
    %dma_wait3A_352 = tpu.memref_squeeze %dma_wait3A_351 : memref<1x2048xf32, #tpu.memory_space<vmem>> -> memref<2048xf32, #tpu.memory_space<vmem>>
    tpu.wait_dma2 semaphore(%arg13 : memref<!tpu.dma_semaphore, #tpu.memory_space<semaphore_mem>>) src(%dma_wait3A_352 : memref<2048xf32, #tpu.memory_space<vmem>>) dst(%dma_wait3A_349 : memref<2048xf32, #tpu.memory_space<hbm>>)
    %dma_wait3A_353 = arith.constant 1 : i32
    %dma_wait3A_354 = arith.constant 0 : i32
    %dma_wait3A_355 = tpu.memref_slice %arg14[%dma_wait3A_353, %dma_wait3A_354] : memref<2x16xi32, #tpu.memory_space<vmem>> -> memref<1x16xi32, #tpu.memory_space<vmem>>
    %dma_wait3A_356 = tpu.memref_squeeze %dma_wait3A_355 : memref<1x16xi32, #tpu.memory_space<vmem>> -> memref<16xi32, #tpu.memory_space<vmem>>
    %dma_wait3A_357 = arith.constant 0 : i32
    %dma_wait3A_358 = tpu.memref_slice %arg7[%add3A_250, %dma_wait3A_357] : memref<64x16xi32, #tpu.memory_space<hbm>> -> memref<1x16xi32, #tpu.memory_space<hbm>>
    %dma_wait3A_359 = tpu.memref_squeeze %dma_wait3A_358 : memref<1x16xi32, #tpu.memory_space<hbm>> -> memref<16xi32, #tpu.memory_space<hbm>>
    %dma_wait3A_360 = arith.constant 0 : i32
    %dma_wait3A_361 = tpu.memref_slice %arg7[%add3A_250, %dma_wait3A_360] : memref<64x16xi32, #tpu.memory_space<hbm>> -> memref<1x16xi32, #tpu.memory_space<hbm>>
    %dma_wait3A_362 = tpu.memref_squeeze %dma_wait3A_361 : memref<1x16xi32, #tpu.memory_space<hbm>> -> memref<16xi32, #tpu.memory_space<hbm>>
    %dma_wait3A_363 = arith.constant 0 : i32
    %dma_wait3A_364 = tpu.memref_slice %arg14[%dma_wait3A_353, %dma_wait3A_363] : memref<2x16xi32, #tpu.memory_space<vmem>> -> memref<1x16xi32, #tpu.memory_space<vmem>>
    %dma_wait3A_365 = tpu.memref_squeeze %dma_wait3A_364 : memref<1x16xi32, #tpu.memory_space<vmem>> -> memref<16xi32, #tpu.memory_space<vmem>>
    tpu.wait_dma2 semaphore(%arg13 : memref<!tpu.dma_semaphore, #tpu.memory_space<semaphore_mem>>) src(%dma_wait3A_365 : memref<16xi32, #tpu.memory_space<vmem>>) dst(%dma_wait3A_362 : memref<16xi32, #tpu.memory_space<hbm>>)
    %dma_wait3A_366 = arith.constant 1 : i32
    %dma_wait3A_367 = arith.constant 0 : i32
    %dma_wait3A_368 = tpu.memref_slice %arg10[%dma_wait3A_366, %dma_wait3A_367] : memref<2x2048xf32, #tpu.memory_space<vmem>> -> memref<1x2048xf32, #tpu.memory_space<vmem>>
    %dma_wait3A_369 = tpu.memref_squeeze %dma_wait3A_368 : memref<1x2048xf32, #tpu.memory_space<vmem>> -> memref<2048xf32, #tpu.memory_space<vmem>>
    %dma_wait3A_370 = arith.constant 0 : i32
    %dma_wait3A_371 = tpu.memref_slice %arg6[%select_n3A, %select_n3A_266, %dma_wait3A_370] : memref<16x4x2048xf32, #tpu.memory_space<hbm>> -> memref<1x1x2048xf32, #tpu.memory_space<hbm>>
    %dma_wait3A_372 = tpu.memref_squeeze %dma_wait3A_371 : memref<1x1x2048xf32, #tpu.memory_space<hbm>> -> memref<2048xf32, #tpu.memory_space<hbm>>
    %dma_wait3A_373 = arith.constant 0 : i32
    %dma_wait3A_374 = tpu.memref_slice %arg6[%select_n3A, %select_n3A_266, %dma_wait3A_373] : memref<16x4x2048xf32, #tpu.memory_space<hbm>> -> memref<1x1x2048xf32, #tpu.memory_space<hbm>>
    %dma_wait3A_375 = tpu.memref_squeeze %dma_wait3A_374 : memref<1x1x2048xf32, #tpu.memory_space<hbm>> -> memref<2048xf32, #tpu.memory_space<hbm>>
    %dma_wait3A_376 = arith.constant 0 : i32
    %dma_wait3A_377 = tpu.memref_slice %arg10[%dma_wait3A_366, %dma_wait3A_376] : memref<2x2048xf32, #tpu.memory_space<vmem>> -> memref<1x2048xf32, #tpu.memory_space<vmem>>
    %dma_wait3A_378 = tpu.memref_squeeze %dma_wait3A_377 : memref<1x2048xf32, #tpu.memory_space<vmem>> -> memref<2048xf32, #tpu.memory_space<vmem>>
    tpu.wait_dma2 semaphore(%arg13 : memref<!tpu.dma_semaphore, #tpu.memory_space<semaphore_mem>>) src(%dma_wait3A_378 : memref<2048xf32, #tpu.memory_space<vmem>>) dst(%dma_wait3A_375 : memref<2048xf32, #tpu.memory_space<hbm>>)
    return
  }
}

#map = affine_map<(d0, d1) -> (0, 0)>
#map1 = affine_map<(d0, d1) -> (0, 0, 0)>
module attributes {stable_mosaic.version = 14 : i64} {
  func.func @k(%arg0: i32, %arg1: i32, %arg2: memref<16x32768xf32, #tpu.memory_space<hbm>>, %arg3: memref<16x4x2048xi32, #tpu.memory_space<hbm>>, %arg4: memref<16x4x2048xf32, #tpu.memory_space<hbm>>, %arg5: memref<32768xf32, #tpu.memory_space<vmem>>, %arg6: memref<2x2048xi32, #tpu.memory_space<vmem>>, %arg7: memref<2x2048xf32, #tpu.memory_space<vmem>>, %arg8: memref<2x2048xf32, #tpu.memory_space<vmem>>, %arg9: memref<!tpu.dma_semaphore, #tpu.memory_space<semaphore_mem>>, %arg10: memref<!tpu.dma_semaphore, #tpu.memory_space<semaphore_mem>>) attributes {dimension_semantics = [#tpu.dimension_semantics<core_parallel>, #tpu.dimension_semantics<subcore_parallel>], iteration_bounds = array<i64: 2, 16>, scalar_prefetch = 0 : i64, scratch_operands = 6 : i64, tpu.core_type = #tpu.core_type<sc_vector_subcore>, window_params = [{transform_indices = #map}, {transform_indices = #map1}, {transform_indices = #map1}]} {
    %mul3A = arith.constant 2 : i32
    %mul3A_0 = arith.muli %arg1, %mul3A : i32
    %add3A = arith.addi %mul3A_0, %arg0 : i32
    %jit3A = arith.constant 2 : i32
    %div3A = arith.divsi %add3A, %jit3A : i32
    %sign3A = arith.constant 0 : i32
    %sign3A_1 = arith.cmpi sgt, %add3A, %sign3A : i32
    %sign3A_2 = arith.extui %sign3A_1 : i1 to i32
    %sign3A_3 = arith.constant 0 : i32
    %sign3A_4 = arith.cmpi slt, %add3A, %sign3A_3 : i32
    %sign3A_5 = arith.extui %sign3A_4 : i1 to i32
    %sign3A_6 = arith.subi %sign3A_2, %sign3A_5 : i32
    %sign3A_7 = arith.constant 0 : i32
    %sign3A_8 = arith.cmpi sgt, %jit3A, %sign3A_7 : i32
    %sign3A_9 = arith.extui %sign3A_8 : i1 to i32
    %sign3A_10 = arith.constant 0 : i32
    %sign3A_11 = arith.cmpi slt, %jit3A, %sign3A_10 : i32
    %sign3A_12 = arith.extui %sign3A_11 : i1 to i32
    %sign3A_13 = arith.subi %sign3A_9, %sign3A_12 : i32
    %ne3A = arith.cmpi ne, %sign3A_6, %sign3A_13 : i32
    %rem3A = arith.remsi %add3A, %jit3A : i32
    %ne3A_14 = arith.constant 0 : i32
    %ne3A_15 = arith.cmpi ne, %rem3A, %ne3A_14 : i32
    %and3A = arith.andi %ne3A, %ne3A_15 : i1
    %sub3A = arith.constant 1 : i32
    %sub3A_16 = arith.subi %div3A, %sub3A : i32
    %select_n3A = arith.select %and3A, %sub3A_16, %div3A : i32
    %dma_start3A = arith.constant 0 : i32
    %dma_start3A_17 = tpu.memref_slice %arg2[%select_n3A, %dma_start3A] : memref<16x32768xf32, #tpu.memory_space<hbm>> -> memref<1x32768xf32, #tpu.memory_space<hbm>>
    %dma_start3A_18 = tpu.memref_squeeze %dma_start3A_17 : memref<1x32768xf32, #tpu.memory_space<hbm>> -> memref<32768xf32, #tpu.memory_space<hbm>>
    %dma_start3A_19 = arith.constant 0 : i32
    %dma_start3A_20 = tpu.memref_slice %arg2[%select_n3A, %dma_start3A_19] : memref<16x32768xf32, #tpu.memory_space<hbm>> -> memref<1x32768xf32, #tpu.memory_space<hbm>>
    %dma_start3A_21 = tpu.memref_squeeze %dma_start3A_20 : memref<1x32768xf32, #tpu.memory_space<hbm>> -> memref<32768xf32, #tpu.memory_space<hbm>>
    tpu.enqueue_dma source(%dma_start3A_21 : memref<32768xf32, #tpu.memory_space<hbm>>) target(%arg5 : memref<32768xf32, #tpu.memory_space<vmem>>) target_semaphore(%arg9 : memref<!tpu.dma_semaphore, #tpu.memory_space<semaphore_mem>>)
    %mul3A_22 = arith.constant 2 : i32
    %mul3A_23 = arith.muli %add3A, %mul3A_22 : i32
    %add3A_24 = arith.constant 0 : i32
    %add3A_25 = arith.addi %mul3A_23, %add3A_24 : i32
    %jit3A_26 = arith.constant 4 : i32
    %eq3A = arith.constant 0 : i32
    %eq3A_27 = arith.cmpi eq, %jit3A_26, %eq3A : i32
    %jit3A_28 = arith.constant 1 : i32
    %select_n3A_29 = arith.select %eq3A_27, %jit3A_28, %jit3A_26 : i32
    %rem3A_30 = arith.remsi %add3A_25, %select_n3A_29 : i32
    %ne3A_31 = arith.constant 0 : i32
    %ne3A_32 = arith.cmpi ne, %rem3A_30, %ne3A_31 : i32
    %lt3A = arith.constant 0 : i32
    %lt3A_33 = arith.cmpi slt, %rem3A_30, %lt3A : i32
    %lt3A_34 = arith.constant 0 : i32
    %lt3A_35 = arith.cmpi slt, %select_n3A_29, %lt3A_34 : i32
    %ne3A_36 = arith.xori %lt3A_33, %lt3A_35 : i1
    %and3A_37 = arith.andi %ne3A_36, %ne3A_32 : i1
    %add3A_38 = arith.addi %rem3A_30, %select_n3A_29 : i32
    %select_n3A_39 = arith.select %and3A_37, %add3A_38, %rem3A_30 : i32
    %dma_start3A_40 = arith.constant 0 : i32
    %dma_start3A_41 = arith.constant 0 : i32
    %dma_start3A_42 = tpu.memref_slice %arg6[%dma_start3A_40, %dma_start3A_41] : memref<2x2048xi32, #tpu.memory_space<vmem>> -> memref<1x2048xi32, #tpu.memory_space<vmem>>
    %dma_start3A_43 = tpu.memref_squeeze %dma_start3A_42 : memref<1x2048xi32, #tpu.memory_space<vmem>> -> memref<2048xi32, #tpu.memory_space<vmem>>
    %dma_start3A_44 = arith.constant 0 : i32
    %dma_start3A_45 = tpu.memref_slice %arg3[%select_n3A, %select_n3A_39, %dma_start3A_44] : memref<16x4x2048xi32, #tpu.memory_space<hbm>> -> memref<1x1x2048xi32, #tpu.memory_space<hbm>>
    %dma_start3A_46 = tpu.memref_squeeze %dma_start3A_45 : memref<1x1x2048xi32, #tpu.memory_space<hbm>> -> memref<2048xi32, #tpu.memory_space<hbm>>
    %dma_start3A_47 = arith.constant 0 : i32
    %dma_start3A_48 = tpu.memref_slice %arg6[%dma_start3A_40, %dma_start3A_47] : memref<2x2048xi32, #tpu.memory_space<vmem>> -> memref<1x2048xi32, #tpu.memory_space<vmem>>
    %dma_start3A_49 = tpu.memref_squeeze %dma_start3A_48 : memref<1x2048xi32, #tpu.memory_space<vmem>> -> memref<2048xi32, #tpu.memory_space<vmem>>
    %dma_start3A_50 = arith.constant 0 : i32
    %dma_start3A_51 = tpu.memref_slice %arg3[%select_n3A, %select_n3A_39, %dma_start3A_50] : memref<16x4x2048xi32, #tpu.memory_space<hbm>> -> memref<1x1x2048xi32, #tpu.memory_space<hbm>>
    %dma_start3A_52 = tpu.memref_squeeze %dma_start3A_51 : memref<1x1x2048xi32, #tpu.memory_space<hbm>> -> memref<2048xi32, #tpu.memory_space<hbm>>
    tpu.enqueue_dma source(%dma_start3A_52 : memref<2048xi32, #tpu.memory_space<hbm>>) target(%dma_start3A_49 : memref<2048xi32, #tpu.memory_space<vmem>>) target_semaphore(%arg9 : memref<!tpu.dma_semaphore, #tpu.memory_space<semaphore_mem>>)
    %mul3A_53 = arith.constant 2 : i32
    %mul3A_54 = arith.muli %add3A, %mul3A_53 : i32
    %add3A_55 = arith.constant 1 : i32
    %add3A_56 = arith.addi %mul3A_54, %add3A_55 : i32
    %jit3A_57 = arith.constant 4 : i32
    %eq3A_58 = arith.constant 0 : i32
    %eq3A_59 = arith.cmpi eq, %jit3A_57, %eq3A_58 : i32
    %jit3A_60 = arith.constant 1 : i32
    %select_n3A_61 = arith.select %eq3A_59, %jit3A_60, %jit3A_57 : i32
    %rem3A_62 = arith.remsi %add3A_56, %select_n3A_61 : i32
    %ne3A_63 = arith.constant 0 : i32
    %ne3A_64 = arith.cmpi ne, %rem3A_62, %ne3A_63 : i32
    %lt3A_65 = arith.constant 0 : i32
    %lt3A_66 = arith.cmpi slt, %rem3A_62, %lt3A_65 : i32
    %lt3A_67 = arith.constant 0 : i32
    %lt3A_68 = arith.cmpi slt, %select_n3A_61, %lt3A_67 : i32
    %ne3A_69 = arith.xori %lt3A_66, %lt3A_68 : i1
    %and3A_70 = arith.andi %ne3A_69, %ne3A_64 : i1
    %add3A_71 = arith.addi %rem3A_62, %select_n3A_61 : i32
    %select_n3A_72 = arith.select %and3A_70, %add3A_71, %rem3A_62 : i32
    %dma_start3A_73 = arith.constant 1 : i32
    %dma_start3A_74 = arith.constant 0 : i32
    %dma_start3A_75 = tpu.memref_slice %arg6[%dma_start3A_73, %dma_start3A_74] : memref<2x2048xi32, #tpu.memory_space<vmem>> -> memref<1x2048xi32, #tpu.memory_space<vmem>>
    %dma_start3A_76 = tpu.memref_squeeze %dma_start3A_75 : memref<1x2048xi32, #tpu.memory_space<vmem>> -> memref<2048xi32, #tpu.memory_space<vmem>>
    %dma_start3A_77 = arith.constant 0 : i32
    %dma_start3A_78 = tpu.memref_slice %arg3[%select_n3A, %select_n3A_72, %dma_start3A_77] : memref<16x4x2048xi32, #tpu.memory_space<hbm>> -> memref<1x1x2048xi32, #tpu.memory_space<hbm>>
    %dma_start3A_79 = tpu.memref_squeeze %dma_start3A_78 : memref<1x1x2048xi32, #tpu.memory_space<hbm>> -> memref<2048xi32, #tpu.memory_space<hbm>>
    %dma_start3A_80 = arith.constant 0 : i32
    %dma_start3A_81 = tpu.memref_slice %arg6[%dma_start3A_73, %dma_start3A_80] : memref<2x2048xi32, #tpu.memory_space<vmem>> -> memref<1x2048xi32, #tpu.memory_space<vmem>>
    %dma_start3A_82 = tpu.memref_squeeze %dma_start3A_81 : memref<1x2048xi32, #tpu.memory_space<vmem>> -> memref<2048xi32, #tpu.memory_space<vmem>>
    %dma_start3A_83 = arith.constant 0 : i32
    %dma_start3A_84 = tpu.memref_slice %arg3[%select_n3A, %select_n3A_72, %dma_start3A_83] : memref<16x4x2048xi32, #tpu.memory_space<hbm>> -> memref<1x1x2048xi32, #tpu.memory_space<hbm>>
    %dma_start3A_85 = tpu.memref_squeeze %dma_start3A_84 : memref<1x1x2048xi32, #tpu.memory_space<hbm>> -> memref<2048xi32, #tpu.memory_space<hbm>>
    tpu.enqueue_dma source(%dma_start3A_85 : memref<2048xi32, #tpu.memory_space<hbm>>) target(%dma_start3A_82 : memref<2048xi32, #tpu.memory_space<vmem>>) target_semaphore(%arg9 : memref<!tpu.dma_semaphore, #tpu.memory_space<semaphore_mem>>)
    %dma_wait3A = arith.constant 0 : i32
    %dma_wait3A_86 = tpu.memref_slice %arg2[%select_n3A, %dma_wait3A] : memref<16x32768xf32, #tpu.memory_space<hbm>> -> memref<1x32768xf32, #tpu.memory_space<hbm>>
    %dma_wait3A_87 = tpu.memref_squeeze %dma_wait3A_86 : memref<1x32768xf32, #tpu.memory_space<hbm>> -> memref<32768xf32, #tpu.memory_space<hbm>>
    %dma_wait3A_88 = arith.constant 0 : i32
    %dma_wait3A_89 = tpu.memref_slice %arg2[%select_n3A, %dma_wait3A_88] : memref<16x32768xf32, #tpu.memory_space<hbm>> -> memref<1x32768xf32, #tpu.memory_space<hbm>>
    %dma_wait3A_90 = tpu.memref_squeeze %dma_wait3A_89 : memref<1x32768xf32, #tpu.memory_space<hbm>> -> memref<32768xf32, #tpu.memory_space<hbm>>
    tpu.wait_dma2 semaphore(%arg9 : memref<!tpu.dma_semaphore, #tpu.memory_space<semaphore_mem>>) src(%dma_wait3A_90 : memref<32768xf32, #tpu.memory_space<hbm>>) dst(%arg5 : memref<32768xf32, #tpu.memory_space<vmem>>)
    %dma_wait3A_91 = arith.constant 0 : i32
    %dma_wait3A_92 = arith.constant 0 : i32
    %dma_wait3A_93 = tpu.memref_slice %arg6[%dma_wait3A_91, %dma_wait3A_92] : memref<2x2048xi32, #tpu.memory_space<vmem>> -> memref<1x2048xi32, #tpu.memory_space<vmem>>
    %dma_wait3A_94 = tpu.memref_squeeze %dma_wait3A_93 : memref<1x2048xi32, #tpu.memory_space<vmem>> -> memref<2048xi32, #tpu.memory_space<vmem>>
    %dma_wait3A_95 = arith.constant 0 : i32
    %dma_wait3A_96 = tpu.memref_slice %arg3[%select_n3A, %select_n3A_39, %dma_wait3A_95] : memref<16x4x2048xi32, #tpu.memory_space<hbm>> -> memref<1x1x2048xi32, #tpu.memory_space<hbm>>
    %dma_wait3A_97 = tpu.memref_squeeze %dma_wait3A_96 : memref<1x1x2048xi32, #tpu.memory_space<hbm>> -> memref<2048xi32, #tpu.memory_space<hbm>>
    %dma_wait3A_98 = arith.constant 0 : i32
    %dma_wait3A_99 = tpu.memref_slice %arg6[%dma_wait3A_91, %dma_wait3A_98] : memref<2x2048xi32, #tpu.memory_space<vmem>> -> memref<1x2048xi32, #tpu.memory_space<vmem>>
    %dma_wait3A_100 = tpu.memref_squeeze %dma_wait3A_99 : memref<1x2048xi32, #tpu.memory_space<vmem>> -> memref<2048xi32, #tpu.memory_space<vmem>>
    %dma_wait3A_101 = arith.constant 0 : i32
    %dma_wait3A_102 = tpu.memref_slice %arg3[%select_n3A, %select_n3A_39, %dma_wait3A_101] : memref<16x4x2048xi32, #tpu.memory_space<hbm>> -> memref<1x1x2048xi32, #tpu.memory_space<hbm>>
    %dma_wait3A_103 = tpu.memref_squeeze %dma_wait3A_102 : memref<1x1x2048xi32, #tpu.memory_space<hbm>> -> memref<2048xi32, #tpu.memory_space<hbm>>
    tpu.wait_dma2 semaphore(%arg9 : memref<!tpu.dma_semaphore, #tpu.memory_space<semaphore_mem>>) src(%dma_wait3A_103 : memref<2048xi32, #tpu.memory_space<hbm>>) dst(%dma_wait3A_100 : memref<2048xi32, #tpu.memory_space<vmem>>)
    %dma_wait3A_104 = arith.constant 1 : i32
    %dma_wait3A_105 = arith.constant 0 : i32
    %dma_wait3A_106 = tpu.memref_slice %arg6[%dma_wait3A_104, %dma_wait3A_105] : memref<2x2048xi32, #tpu.memory_space<vmem>> -> memref<1x2048xi32, #tpu.memory_space<vmem>>
    %dma_wait3A_107 = tpu.memref_squeeze %dma_wait3A_106 : memref<1x2048xi32, #tpu.memory_space<vmem>> -> memref<2048xi32, #tpu.memory_space<vmem>>
    %dma_wait3A_108 = arith.constant 0 : i32
    %dma_wait3A_109 = tpu.memref_slice %arg3[%select_n3A, %select_n3A_72, %dma_wait3A_108] : memref<16x4x2048xi32, #tpu.memory_space<hbm>> -> memref<1x1x2048xi32, #tpu.memory_space<hbm>>
    %dma_wait3A_110 = tpu.memref_squeeze %dma_wait3A_109 : memref<1x1x2048xi32, #tpu.memory_space<hbm>> -> memref<2048xi32, #tpu.memory_space<hbm>>
    %dma_wait3A_111 = arith.constant 0 : i32
    %dma_wait3A_112 = tpu.memref_slice %arg6[%dma_wait3A_104, %dma_wait3A_111] : memref<2x2048xi32, #tpu.memory_space<vmem>> -> memref<1x2048xi32, #tpu.memory_space<vmem>>
    %dma_wait3A_113 = tpu.memref_squeeze %dma_wait3A_112 : memref<1x2048xi32, #tpu.memory_space<vmem>> -> memref<2048xi32, #tpu.memory_space<vmem>>
    %dma_wait3A_114 = arith.constant 0 : i32
    %dma_wait3A_115 = tpu.memref_slice %arg3[%select_n3A, %select_n3A_72, %dma_wait3A_114] : memref<16x4x2048xi32, #tpu.memory_space<hbm>> -> memref<1x1x2048xi32, #tpu.memory_space<hbm>>
    %dma_wait3A_116 = tpu.memref_squeeze %dma_wait3A_115 : memref<1x1x2048xi32, #tpu.memory_space<hbm>> -> memref<2048xi32, #tpu.memory_space<hbm>>
    tpu.wait_dma2 semaphore(%arg9 : memref<!tpu.dma_semaphore, #tpu.memory_space<semaphore_mem>>) src(%dma_wait3A_116 : memref<2048xi32, #tpu.memory_space<hbm>>) dst(%dma_wait3A_113 : memref<2048xi32, #tpu.memory_space<vmem>>)
    %iota3A = tpu.iota {dimensions = array<i32: 0>} : vector<16xi32>
    %broadcast_in_dim3A = arith.constant -1.000000e+09 : f32
    %broadcast_in_dim3A_117 = vector.broadcast %broadcast_in_dim3A : f32 to vector<16xf32>
    %broadcast_in_dim3A_118 = arith.constant 0 : i32
    %broadcast_in_dim3A_119 = vector.broadcast %broadcast_in_dim3A_118 : i32 to vector<16xi32>
    %mul3A_120 = arith.constant 2 : i32
    %mul3A_121 = arith.muli %add3A, %mul3A_120 : i32
    %add3A_122 = arith.constant 0 : i32
    %add3A_123 = arith.addi %mul3A_121, %add3A_122 : i32
    %jit3A_124 = arith.constant 4 : i32
    %eq3A_125 = arith.constant 0 : i32
    %eq3A_126 = arith.cmpi eq, %jit3A_124, %eq3A_125 : i32
    %jit3A_127 = arith.constant 1 : i32
    %select_n3A_128 = arith.select %eq3A_126, %jit3A_127, %jit3A_124 : i32
    %rem3A_129 = arith.remsi %add3A_123, %select_n3A_128 : i32
    %ne3A_130 = arith.constant 0 : i32
    %ne3A_131 = arith.cmpi ne, %rem3A_129, %ne3A_130 : i32
    %lt3A_132 = arith.constant 0 : i32
    %lt3A_133 = arith.cmpi slt, %rem3A_129, %lt3A_132 : i32
    %lt3A_134 = arith.constant 0 : i32
    %lt3A_135 = arith.cmpi slt, %select_n3A_128, %lt3A_134 : i32
    %ne3A_136 = arith.xori %lt3A_133, %lt3A_135 : i1
    %and3A_137 = arith.andi %ne3A_136, %ne3A_131 : i1
    %add3A_138 = arith.addi %rem3A_129, %select_n3A_128 : i32
    %select_n3A_139 = arith.select %and3A_137, %add3A_138, %rem3A_129 : i32
    %broadcast_in_dim3A_140 = arith.constant 0xFF800000 : f32
    %broadcast_in_dim3A_141 = vector.broadcast %broadcast_in_dim3A_140 : f32 to vector<16xf32>
    %broadcast_in_dim3A_142 = arith.constant 0 : i32
    %broadcast_in_dim3A_143 = vector.broadcast %broadcast_in_dim3A_142 : i32 to vector<16xi32>
    %scan3A = arith.constant 0 : i32
    %scan3A_144 = arith.constant 128 : i32
    %scan3A_145 = arith.addi %scan3A, %scan3A_144 : i32
    %scan3A_146 = arith.constant 1 : i32
    scf.for %scan3A_229 = %scan3A to %scan3A_145 step %scan3A_146  : i32 {
      %mul3A_230 = arith.constant 16 : i32
      %mul3A_231 = arith.muli %scan3A_229, %mul3A_230 : i32
      %get3A = arith.constant 0 : i32
      %get3A_232 = arith.index_cast %get3A : i32 to index
      %get3A_233 = arith.index_cast %mul3A_231 : i32 to index
      %get3A_234 = tpu.vector_load %arg6[%get3A_232, %get3A_233] {strides = array<i32>} : memref<2x2048xi32, #tpu.memory_space<vmem>>, vector<16xi32>,
      %sub3A_235 = arith.constant 0 : i32
      %sub3A_236 = vector.broadcast %sub3A_235 : i32 to vector<16xi32>
      %sub3A_237 = arith.subi %get3A_234, %sub3A_236 : vector<16xi32>
      %ge3A = arith.constant 0 : i32
      %ge3A_238 = vector.broadcast %ge3A : i32 to vector<16xi32>
      %ge3A_239 = arith.cmpi sge, %get3A_234, %ge3A_238 : vector<16xi32>
      %lt3A_240 = arith.constant 32768 : i32
      %lt3A_241 = vector.broadcast %lt3A_240 : i32 to vector<16xi32>
      %lt3A_242 = arith.cmpi slt, %sub3A_237, %lt3A_241 : vector<16xi32>
      %and3A_243 = arith.andi %ge3A_239, %lt3A_242 : vector<16xi1>
      %select_n3A_244 = arith.select %and3A_243, %sub3A_237, %broadcast_in_dim3A_119 : vector<16xi1>, vector<16xi32>
      %gather3A = tpu.vector_load_idx %arg5[%select_n3A_244] : memref<32768xf32, #tpu.memory_space<vmem>>[vector<16xi32>], vector<16xf32>,
      %broadcast_in_dim3A_245 = arith.constant 0.000000e+00 : f32
      %broadcast_in_dim3A_246 = vector.broadcast %broadcast_in_dim3A_245 : f32 to vector<16xf32>
      %select_n3A_247 = arith.select %and3A_243, %gather3A, %broadcast_in_dim3A_246 : vector<16xi1>, vector<16xf32>
      %mul3A_248 = arith.constant 16 : i32
      %mul3A_249 = arith.muli %scan3A_229, %mul3A_248 : i32
      %swap3A = arith.constant 0 : i32
      %swap3A_250 = arith.index_cast %swap3A : i32 to index
      %swap3A_251 = arith.index_cast %mul3A_249 : i32 to index
      %swap3A_252 = tpu.vector_load %arg7[%swap3A_250, %swap3A_251] {strides = array<i32>} : memref<2x2048xf32, #tpu.memory_space<vmem>>, vector<16xf32>,
      tpu.vector_store %arg7[%swap3A_250, %swap3A_251], %select_n3A_247 {strides = array<i32>} : memref<2x2048xf32, #tpu.memory_space<vmem>>, vector<16xf32>,
    }
    %scan3A_147 = arith.constant 128 : i32
    %dma_start3A_148 = arith.constant 0 : i32
    %dma_start3A_149 = arith.constant 0 : i32
    %dma_start3A_150 = tpu.memref_slice %arg7[%dma_start3A_148, %dma_start3A_149] : memref<2x2048xf32, #tpu.memory_space<vmem>> -> memref<1x2048xf32, #tpu.memory_space<vmem>>
    %dma_start3A_151 = tpu.memref_squeeze %dma_start3A_150 : memref<1x2048xf32, #tpu.memory_space<vmem>> -> memref<2048xf32, #tpu.memory_space<vmem>>
    %dma_start3A_152 = arith.constant 0 : i32
    %dma_start3A_153 = tpu.memref_slice %arg4[%select_n3A, %select_n3A_139, %dma_start3A_152] : memref<16x4x2048xf32, #tpu.memory_space<hbm>> -> memref<1x1x2048xf32, #tpu.memory_space<hbm>>
    %dma_start3A_154 = tpu.memref_squeeze %dma_start3A_153 : memref<1x1x2048xf32, #tpu.memory_space<hbm>> -> memref<2048xf32, #tpu.memory_space<hbm>>
    %dma_start3A_155 = arith.constant 0 : i32
    %dma_start3A_156 = tpu.memref_slice %arg4[%select_n3A, %select_n3A_139, %dma_start3A_155] : memref<16x4x2048xf32, #tpu.memory_space<hbm>> -> memref<1x1x2048xf32, #tpu.memory_space<hbm>>
    %dma_start3A_157 = tpu.memref_squeeze %dma_start3A_156 : memref<1x1x2048xf32, #tpu.memory_space<hbm>> -> memref<2048xf32, #tpu.memory_space<hbm>>
    %dma_start3A_158 = arith.constant 0 : i32
    %dma_start3A_159 = tpu.memref_slice %arg7[%dma_start3A_148, %dma_start3A_158] : memref<2x2048xf32, #tpu.memory_space<vmem>> -> memref<1x2048xf32, #tpu.memory_space<vmem>>
    %dma_start3A_160 = tpu.memref_squeeze %dma_start3A_159 : memref<1x2048xf32, #tpu.memory_space<vmem>> -> memref<2048xf32, #tpu.memory_space<vmem>>
    tpu.enqueue_dma source(%dma_start3A_160 : memref<2048xf32, #tpu.memory_space<vmem>>) target(%dma_start3A_157 : memref<2048xf32, #tpu.memory_space<hbm>>) target_semaphore(%arg10 : memref<!tpu.dma_semaphore, #tpu.memory_space<semaphore_mem>>)
    %mul3A_161 = arith.constant 2 : i32
    %mul3A_162 = arith.muli %add3A, %mul3A_161 : i32
    %add3A_163 = arith.constant 1 : i32
    %add3A_164 = arith.addi %mul3A_162, %add3A_163 : i32
    %jit3A_165 = arith.constant 4 : i32
    %eq3A_166 = arith.constant 0 : i32
    %eq3A_167 = arith.cmpi eq, %jit3A_165, %eq3A_166 : i32
    %jit3A_168 = arith.constant 1 : i32
    %select_n3A_169 = arith.select %eq3A_167, %jit3A_168, %jit3A_165 : i32
    %rem3A_170 = arith.remsi %add3A_164, %select_n3A_169 : i32
    %ne3A_171 = arith.constant 0 : i32
    %ne3A_172 = arith.cmpi ne, %rem3A_170, %ne3A_171 : i32
    %lt3A_173 = arith.constant 0 : i32
    %lt3A_174 = arith.cmpi slt, %rem3A_170, %lt3A_173 : i32
    %lt3A_175 = arith.constant 0 : i32
    %lt3A_176 = arith.cmpi slt, %select_n3A_169, %lt3A_175 : i32
    %ne3A_177 = arith.xori %lt3A_174, %lt3A_176 : i1
    %and3A_178 = arith.andi %ne3A_177, %ne3A_172 : i1
    %add3A_179 = arith.addi %rem3A_170, %select_n3A_169 : i32
    %select_n3A_180 = arith.select %and3A_178, %add3A_179, %rem3A_170 : i32
    %broadcast_in_dim3A_181 = arith.constant 0xFF800000 : f32
    %broadcast_in_dim3A_182 = vector.broadcast %broadcast_in_dim3A_181 : f32 to vector<16xf32>
    %broadcast_in_dim3A_183 = arith.constant 0 : i32
    %broadcast_in_dim3A_184 = vector.broadcast %broadcast_in_dim3A_183 : i32 to vector<16xi32>
    %scan3A_185 = arith.constant 0 : i32
    %scan3A_186 = arith.constant 128 : i32
    %scan3A_187 = arith.addi %scan3A_185, %scan3A_186 : i32
    %scan3A_188 = arith.constant 1 : i32
    scf.for %scan3A_229 = %scan3A_185 to %scan3A_187 step %scan3A_188  : i32 {
      %mul3A_230 = arith.constant 16 : i32
      %mul3A_231 = arith.muli %scan3A_229, %mul3A_230 : i32
      %get3A = arith.constant 1 : i32
      %get3A_232 = arith.index_cast %get3A : i32 to index
      %get3A_233 = arith.index_cast %mul3A_231 : i32 to index
      %get3A_234 = tpu.vector_load %arg6[%get3A_232, %get3A_233] {strides = array<i32>} : memref<2x2048xi32, #tpu.memory_space<vmem>>, vector<16xi32>,
      %sub3A_235 = arith.constant 0 : i32
      %sub3A_236 = vector.broadcast %sub3A_235 : i32 to vector<16xi32>
      %sub3A_237 = arith.subi %get3A_234, %sub3A_236 : vector<16xi32>
      %ge3A = arith.constant 0 : i32
      %ge3A_238 = vector.broadcast %ge3A : i32 to vector<16xi32>
      %ge3A_239 = arith.cmpi sge, %get3A_234, %ge3A_238 : vector<16xi32>
      %lt3A_240 = arith.constant 32768 : i32
      %lt3A_241 = vector.broadcast %lt3A_240 : i32 to vector<16xi32>
      %lt3A_242 = arith.cmpi slt, %sub3A_237, %lt3A_241 : vector<16xi32>
      %and3A_243 = arith.andi %ge3A_239, %lt3A_242 : vector<16xi1>
      %select_n3A_244 = arith.select %and3A_243, %sub3A_237, %broadcast_in_dim3A_119 : vector<16xi1>, vector<16xi32>
      %gather3A = tpu.vector_load_idx %arg5[%select_n3A_244] : memref<32768xf32, #tpu.memory_space<vmem>>[vector<16xi32>], vector<16xf32>,
      %broadcast_in_dim3A_245 = arith.constant 0.000000e+00 : f32
      %broadcast_in_dim3A_246 = vector.broadcast %broadcast_in_dim3A_245 : f32 to vector<16xf32>
      %select_n3A_247 = arith.select %and3A_243, %gather3A, %broadcast_in_dim3A_246 : vector<16xi1>, vector<16xf32>
      %mul3A_248 = arith.constant 16 : i32
      %mul3A_249 = arith.muli %scan3A_229, %mul3A_248 : i32
      %swap3A = arith.constant 1 : i32
      %swap3A_250 = arith.index_cast %swap3A : i32 to index
      %swap3A_251 = arith.index_cast %mul3A_249 : i32 to index
      %swap3A_252 = tpu.vector_load %arg7[%swap3A_250, %swap3A_251] {strides = array<i32>} : memref<2x2048xf32, #tpu.memory_space<vmem>>, vector<16xf32>,
      tpu.vector_store %arg7[%swap3A_250, %swap3A_251], %select_n3A_247 {strides = array<i32>} : memref<2x2048xf32, #tpu.memory_space<vmem>>, vector<16xf32>,
    }
    %scan3A_189 = arith.constant 128 : i32
    %dma_start3A_190 = arith.constant 1 : i32
    %dma_start3A_191 = arith.constant 0 : i32
    %dma_start3A_192 = tpu.memref_slice %arg7[%dma_start3A_190, %dma_start3A_191] : memref<2x2048xf32, #tpu.memory_space<vmem>> -> memref<1x2048xf32, #tpu.memory_space<vmem>>
    %dma_start3A_193 = tpu.memref_squeeze %dma_start3A_192 : memref<1x2048xf32, #tpu.memory_space<vmem>> -> memref<2048xf32, #tpu.memory_space<vmem>>
    %dma_start3A_194 = arith.constant 0 : i32
    %dma_start3A_195 = tpu.memref_slice %arg4[%select_n3A, %select_n3A_180, %dma_start3A_194] : memref<16x4x2048xf32, #tpu.memory_space<hbm>> -> memref<1x1x2048xf32, #tpu.memory_space<hbm>>
    %dma_start3A_196 = tpu.memref_squeeze %dma_start3A_195 : memref<1x1x2048xf32, #tpu.memory_space<hbm>> -> memref<2048xf32, #tpu.memory_space<hbm>>
    %dma_start3A_197 = arith.constant 0 : i32
    %dma_start3A_198 = tpu.memref_slice %arg4[%select_n3A, %select_n3A_180, %dma_start3A_197] : memref<16x4x2048xf32, #tpu.memory_space<hbm>> -> memref<1x1x2048xf32, #tpu.memory_space<hbm>>
    %dma_start3A_199 = tpu.memref_squeeze %dma_start3A_198 : memref<1x1x2048xf32, #tpu.memory_space<hbm>> -> memref<2048xf32, #tpu.memory_space<hbm>>
    %dma_start3A_200 = arith.constant 0 : i32
    %dma_start3A_201 = tpu.memref_slice %arg7[%dma_start3A_190, %dma_start3A_200] : memref<2x2048xf32, #tpu.memory_space<vmem>> -> memref<1x2048xf32, #tpu.memory_space<vmem>>
    %dma_start3A_202 = tpu.memref_squeeze %dma_start3A_201 : memref<1x2048xf32, #tpu.memory_space<vmem>> -> memref<2048xf32, #tpu.memory_space<vmem>>
    tpu.enqueue_dma source(%dma_start3A_202 : memref<2048xf32, #tpu.memory_space<vmem>>) target(%dma_start3A_199 : memref<2048xf32, #tpu.memory_space<hbm>>) target_semaphore(%arg10 : memref<!tpu.dma_semaphore, #tpu.memory_space<semaphore_mem>>)
    %dma_wait3A_203 = arith.constant 0 : i32
    %dma_wait3A_204 = arith.constant 0 : i32
    %dma_wait3A_205 = tpu.memref_slice %arg7[%dma_wait3A_203, %dma_wait3A_204] : memref<2x2048xf32, #tpu.memory_space<vmem>> -> memref<1x2048xf32, #tpu.memory_space<vmem>>
    %dma_wait3A_206 = tpu.memref_squeeze %dma_wait3A_205 : memref<1x2048xf32, #tpu.memory_space<vmem>> -> memref<2048xf32, #tpu.memory_space<vmem>>
    %dma_wait3A_207 = arith.constant 0 : i32
    %dma_wait3A_208 = tpu.memref_slice %arg4[%select_n3A, %select_n3A_139, %dma_wait3A_207] : memref<16x4x2048xf32, #tpu.memory_space<hbm>> -> memref<1x1x2048xf32, #tpu.memory_space<hbm>>
    %dma_wait3A_209 = tpu.memref_squeeze %dma_wait3A_208 : memref<1x1x2048xf32, #tpu.memory_space<hbm>> -> memref<2048xf32, #tpu.memory_space<hbm>>
    %dma_wait3A_210 = arith.constant 0 : i32
    %dma_wait3A_211 = tpu.memref_slice %arg4[%select_n3A, %select_n3A_139, %dma_wait3A_210] : memref<16x4x2048xf32, #tpu.memory_space<hbm>> -> memref<1x1x2048xf32, #tpu.memory_space<hbm>>
    %dma_wait3A_212 = tpu.memref_squeeze %dma_wait3A_211 : memref<1x1x2048xf32, #tpu.memory_space<hbm>> -> memref<2048xf32, #tpu.memory_space<hbm>>
    %dma_wait3A_213 = arith.constant 0 : i32
    %dma_wait3A_214 = tpu.memref_slice %arg7[%dma_wait3A_203, %dma_wait3A_213] : memref<2x2048xf32, #tpu.memory_space<vmem>> -> memref<1x2048xf32, #tpu.memory_space<vmem>>
    %dma_wait3A_215 = tpu.memref_squeeze %dma_wait3A_214 : memref<1x2048xf32, #tpu.memory_space<vmem>> -> memref<2048xf32, #tpu.memory_space<vmem>>
    tpu.wait_dma2 semaphore(%arg10 : memref<!tpu.dma_semaphore, #tpu.memory_space<semaphore_mem>>) src(%dma_wait3A_215 : memref<2048xf32, #tpu.memory_space<vmem>>) dst(%dma_wait3A_212 : memref<2048xf32, #tpu.memory_space<hbm>>)
    %dma_wait3A_216 = arith.constant 1 : i32
    %dma_wait3A_217 = arith.constant 0 : i32
    %dma_wait3A_218 = tpu.memref_slice %arg7[%dma_wait3A_216, %dma_wait3A_217] : memref<2x2048xf32, #tpu.memory_space<vmem>> -> memref<1x2048xf32, #tpu.memory_space<vmem>>
    %dma_wait3A_219 = tpu.memref_squeeze %dma_wait3A_218 : memref<1x2048xf32, #tpu.memory_space<vmem>> -> memref<2048xf32, #tpu.memory_space<vmem>>
    %dma_wait3A_220 = arith.constant 0 : i32
    %dma_wait3A_221 = tpu.memref_slice %arg4[%select_n3A, %select_n3A_180, %dma_wait3A_220] : memref<16x4x2048xf32, #tpu.memory_space<hbm>> -> memref<1x1x2048xf32, #tpu.memory_space<hbm>>
    %dma_wait3A_222 = tpu.memref_squeeze %dma_wait3A_221 : memref<1x1x2048xf32, #tpu.memory_space<hbm>> -> memref<2048xf32, #tpu.memory_space<hbm>>
    %dma_wait3A_223 = arith.constant 0 : i32
    %dma_wait3A_224 = tpu.memref_slice %arg4[%select_n3A, %select_n3A_180, %dma_wait3A_223] : memref<16x4x2048xf32, #tpu.memory_space<hbm>> -> memref<1x1x2048xf32, #tpu.memory_space<hbm>>
    %dma_wait3A_225 = tpu.memref_squeeze %dma_wait3A_224 : memref<1x1x2048xf32, #tpu.memory_space<hbm>> -> memref<2048xf32, #tpu.memory_space<hbm>>
    %dma_wait3A_226 = arith.constant 0 : i32
    %dma_wait3A_227 = tpu.memref_slice %arg7[%dma_wait3A_216, %dma_wait3A_226] : memref<2x2048xf32, #tpu.memory_space<vmem>> -> memref<1x2048xf32, #tpu.memory_space<vmem>>
    %dma_wait3A_228 = tpu.memref_squeeze %dma_wait3A_227 : memref<1x2048xf32, #tpu.memory_space<vmem>> -> memref<2048xf32, #tpu.memory_space<vmem>>
    tpu.wait_dma2 semaphore(%arg10 : memref<!tpu.dma_semaphore, #tpu.memory_space<semaphore_mem>>) src(%dma_wait3A_228 : memref<2048xf32, #tpu.memory_space<vmem>>) dst(%dma_wait3A_225 : memref<2048xf32, #tpu.memory_space<hbm>>)
    return
  }
}

module attributes {stable_mosaic.version = 14 : i64} {
  func.func @mm(%arg0: i32, %arg1: memref<16x256xf32, #tpu.memory_space<vmem>>, %arg2: memref<4096x256xf32, #tpu.memory_space<vmem>>, %arg3: memref<16x4096xf32, #tpu.memory_space<vmem>>) attributes {dimension_semantics = [#tpu.dimension_semantics<arbitrary>], iteration_bounds = array<i64: 8>, scalar_prefetch = 0 : i64, scratch_operands = 0 : i64, tpu.core_type = #tpu.core_type<tc>, window_params = [{pipeline_mode = #tpu.pipeline_mode<synchronous>, transform_indices = @transform_0, window_bounds = array<i64: 16, 256>}, {transform_indices = @transform_1, window_bounds = array<i64: 4096, 256>}, {transform_indices = @transform_2, window_bounds = array<i64: 16, 4096>}]} {
    %get3A = arith.constant 0 : index
    %get3A_0 = arith.constant 0 : index
    %get3A_1 = vector.load %arg1[%get3A, %get3A_0] : memref<16x256xf32, #tpu.memory_space<vmem>>, vector<16x256xf32>
    %get3A_2 = arith.constant 0 : index
    %get3A_3 = arith.constant 0 : index
    %get3A_4 = vector.load %arg2[%get3A_2, %get3A_3] : memref<4096x256xf32, #tpu.memory_space<vmem>>, vector<4096x256xf32>
    %dot_general3A = arith.constant dense<0.000000e+00> : vector<16x4096xf32>
    %dot_general3A_5 = tpu.matmul %get3A_1, %get3A_4, %dot_general3A {dimension_numbers = #tpu.dot_dimension_numbers<[1], [1], [0], [0], [0, 0, 1, 0], [], []>, precision = #tpu.contract_precision<fp32>, transpose_lhs_hint = false} : vector<16x256xf32>, vector<4096x256xf32>, vector<16x4096xf32> -> vector<16x4096xf32>
    %swap3A = arith.constant 0 : index
    %swap3A_6 = arith.constant 0 : index
    %swap3A_7 = vector.load %arg3[%swap3A, %swap3A_6] : memref<16x4096xf32, #tpu.memory_space<vmem>>, vector<16x4096xf32>
    tpu.vector_store %arg3[%swap3A, %swap3A_6], %dot_general3A_5 {strides = array<i32>} : memref<16x4096xf32, #tpu.memory_space<vmem>>, vector<16x4096xf32>,
    return
  }
  func.func @transform_0(%arg0: i32) -> (i32, i32) {
    %c0_i32 = arith.constant 0 : i32
    %c0_i32_0 = arith.constant 0 : i32
    %c0_i32_1 = arith.constant 0 : i32
    return %c0_i32, %c0_i32_0 : i32, i32
  }
  func.func @transform_1(%arg0: i32) -> (i32, i32) {
    %add3A = arith.constant 0 : i32
    %add3A_0 = arith.addi %add3A, %arg0 : i32
    %c0_i32 = arith.constant 0 : i32
    %c0_i32_1 = arith.constant 0 : i32
    return %add3A_0, %c0_i32 : i32, i32
  }
  func.func @transform_2(%arg0: i32) -> (i32, i32) {
    %c0_i32 = arith.constant 0 : i32
    %c0_i32_0 = arith.constant 0 : i32
    return %c0_i32, %arg0 : i32, i32
  }
}

module attributes {stable_mosaic.version = 14 : i64} {
  func.func @mm(%arg0: i32, %arg1: memref<16x256xf32, #tpu.memory_space<vmem>>, %arg2: memref<4096x256xf32, #tpu.memory_space<vmem>>, %arg3: memref<16x4096xf32, #tpu.memory_space<vmem>>) attributes {dimension_semantics = [#tpu.dimension_semantics<arbitrary>], iteration_bounds = array<i64: 8>, scalar_prefetch = 0 : i64, scratch_operands = 0 : i64, tpu.core_type = #tpu.core_type<tc>, window_params = [{pipeline_mode = #tpu.pipeline_mode<synchronous>, transform_indices = @transform_0, window_bounds = array<i64: 16, 256>}, {transform_indices = @transform_1, window_bounds = array<i64: 4096, 256>}, {transform_indices = @transform_2, window_bounds = array<i64: 16, 4096>}]} {
    %get3A = arith.constant 0 : index
    %get3A_0 = arith.constant 0 : index
    %get3A_1 = vector.load %arg1[%get3A, %get3A_0] : memref<16x256xf32, #tpu.memory_space<vmem>>, vector<16x256xf32>
    %get3A_2 = arith.constant 0 : index
    %get3A_3 = arith.constant 0 : index
    %get3A_4 = vector.load %arg2[%get3A_2, %get3A_3] : memref<4096x256xf32, #tpu.memory_space<vmem>>, vector<4096x256xf32>
    %dot_general3A = arith.constant dense<0.000000e+00> : vector<16x4096xf32>
    %dot_general3A_5 = tpu.matmul %get3A_1, %get3A_4, %dot_general3A {dimension_numbers = #tpu.dot_dimension_numbers<[1], [1], [0], [0], [0, 0, 1, 0], [], []>, precision = #tpu.contract_precision<fp32>, transpose_lhs_hint = false} : vector<16x256xf32>, vector<4096x256xf32>, vector<16x4096xf32> -> vector<16x4096xf32>
    %swap3A = arith.constant 0 : index
    %swap3A_6 = arith.constant 0 : index
    %swap3A_7 = vector.load %arg3[%swap3A, %swap3A_6] : memref<16x4096xf32, #tpu.memory_space<vmem>>, vector<16x4096xf32>
    tpu.vector_store %arg3[%swap3A, %swap3A_6], %dot_general3A_5 {strides = array<i32>} : memref<16x4096xf32, #tpu.memory_space<vmem>>, vector<16x4096xf32>,
    return
  }
  func.func @transform_0(%arg0: i32) -> (i32, i32) {
    %c0_i32 = arith.constant 0 : i32
    %c0_i32_0 = arith.constant 0 : i32
    %c0_i32_1 = arith.constant 0 : i32
    return %c0_i32, %c0_i32_0 : i32, i32
  }
  func.func @transform_1(%arg0: i32) -> (i32, i32) {
    %add3A = arith.constant 8 : i32
    %add3A_0 = arith.addi %add3A, %arg0 : i32
    %c0_i32 = arith.constant 0 : i32
    %c0_i32_1 = arith.constant 0 : i32
    return %add3A_0, %c0_i32 : i32, i32
  }
  func.func @transform_2(%arg0: i32) -> (i32, i32) {
    %c0_i32 = arith.constant 0 : i32
    %c0_i32_0 = arith.constant 0 : i32
    return %c0_i32, %arg0 : i32, i32
  }
}

</mosaic_0001>

<sc_bundles>
// kernel: kernel.6.cloned.1.call-start
scs
__scs_entry_jumppad:
0x0: {  	(pc) =	sbr.rel $0x88, $3  }
0x1: {  	(tag) =	ssettag $0x0;
	lr =	simm.s32 $0x1  }
0x2: {  	[smem:$0x3F9D] =	sst lr;
	_ =	strace $0xD0000000  }
0x3: {  	_ = 	snop  }
0x4: {  	_ = 	snop  }
0x5: {  	_ = 	snop  }
0x6: {  	_ = 	snop  }
0x7: {  	_ = 	snop  }
__scs_overlays_trampoline_lowered:
0x8: {  	[smem:$0x3FAC] =	sst s0  }
0x9: {  	[smem:$0x3FAD] =	sst s1  }
0xa: {  	[smem:$0x3FAE] =	sst s2  }
0xb: {  	[smem:$0x3FAF] =	sst s3  }
0xc: {  	[smem:$0x3FB0] =	sst s4  }
0xd: {  	[smem:$0x3FB1] =	sst s5  }
0xe: {  	[smem:$0x3FB2] =	sst s6  }
0xf: {  	[smem:$0x3FB3] =	sst s7  }
0x10: {  	[smem:$0x3FB4] =	sst s8  }
0x11: {  	[smem:$0x3FB5] =	sst s9;
	s0 =	simm.s32 @!p0 $0x0  }
0x12: {  	s1 =	sld [smem:$0x3F9B];
	s0 =	simm.s32 @p0 $0x1  }
0x13: {  	[smem:$0x3FB6] =	sst s0;
	s0 =	simm.s32 @!p1 $0x0  }
0x14: {  	s2 =	sld [smem:$0x3F9A];
	s0 =	simm.s32 @p1 $0x1  }
0x15: {  	[smem:$0x3FB7] =	sst s0;
	s0 =	simm.s32 @!p2 $0x0  }
0x16: {  	s3 =	sld [smem:$0x3FDB];
	s0 =	simm.s32 @p2 $0x1  }
0x17: {  	s4 =	simm.s32 $0x1BF5;
	[smem:$0x3FB9] =	sst s0  }
0x18: {  	s0 =	sld [smem:$0x3F9C];
	_ =	swait.ge [sflag:s4], $0x0  }
0x19: {  	s7 =	sld [smem:$0x3F9D]  }
0x1a: {  	s8 =	sadd.s32 $0xFFFFE003, lr  }
0x1b: {  	s9 =	sadd.s32 $0xFFFFFEF7, lr;
	s5 =	simm.s32 $0xFFFFFFFF;
	p2 =	slt.u32 s8, $0xFFFFF086  }
0x1c: {  	p1 =	slt.u32 s9, $0xF7A;
	s5 =	simm.s32 @!p2 $0x0  }
0x1d: {  	s5 =	simm.s32 @p1 $0x1;
	p0 =	seq.s32 s7, s2  }
0x1e: {  	s7 =	smul.u32 @!p0 $0xF7A, s2;
	p2 =	seq.s32 @!p0 s5, $0x0  }
0x1f: {  	s9 =	smul.u32 $0xF7A, s1;
	s8 =	simm.s32 @!p0 $0x1BF5;
	p2 =	por !p2, p0  }
0x20: {  	[sflag:s8] =	ssyncset.s32 @!p0 $0xFFFFF086;
	s6 =	sadd.s32 @!p0 s3, s7;
	s7 =	simm.s32 @!p0 $0x108  }
0x21: {  	s3 =	sadd.s32 s3, s9;
	s6 =	sadd.s32 @!p0 $0x88, s6;
	s7 =	simm.s32 @p2 $0x1082  }
0x22: {  	[simem:s7], [sflag:s8] =	dma.local @!p0 [hbm:s6], $0xF7A  }
0x23: {  	s9 =	sor.u32 $0xD0000000, s2;
	s6 =	simm.s32 $0x108;
	_ =	swait.ge @!p0 [sflag:s8], $0x0  }
0x24: {  	s3 =	sadd.s32 $0x88, s3;
	s6 =	simm.s32 @!p1 $0x1082;
	[sflag:s4] =	ssyncset.s32 $0xFFFFF086  }
0x25: {  	[simem:s6], [sflag:s4] =	dma.local [hbm:s3], $0xF7A  }
0x26: {  	[smem:$0x3F9D] =	sst s1;
	(tag) =	ssettag s2;
	_ =	strace s9  }
0x27: {  	s1 =	sld [smem:$0x3FAD]  }
0x28: {  	s2 =	sld [smem:$0x3FAE]  }
0x29: {  	s4 =	sld [smem:$0x3FB0]  }
0x2a: {  	p0 =	seq.s32 s5, $0x0;
	s5 =	sld [smem:$0x3FB1]  }
0x2b: {  	s6 =	sld [smem:$0x3FB2]  }
0x2c: {  	s7 =	sld [smem:$0x3FB3]  }
0x2d: {  	s3 =	simm.s32 $0x108;
	s8 =	sld [smem:$0x3FB4]  }
0x2e: {  	s3 =	simm.s32 @!p0 $0x1082;
	s9 =	sld [smem:$0x3FB5]  }
0x2f: {  	lr =	sadd.s32 s0, s3;
	s0 =	sld [smem:$0x3FAC]  }
0x30: {  	s3 =	sld [smem:$0x3FAF]  }
0x31: {  	[smem:$0x3FB8] =	sst s10  }
0x32: {  	s10 =	sld [smem:$0x3FB6];
	_ =	sdelay $0x3  }
0x33: {  	p0 =	seq.s32 s10, $0x1;
	s10 =	sld [smem:$0x3FB8];
	_ =	sdelay $0x3  }
0x34: {  	[smem:$0x3FB8] =	sst s10  }
0x35: {  	s10 =	sld [smem:$0x3FB7];
	_ =	sdelay $0x3  }
0x36: {  	p1 =	seq.s32 s10, $0x1;
	s10 =	sld [smem:$0x3FB8];
	_ =	sdelay $0x3  }
0x37: {  	[smem:$0x3FB8] =	sst s10  }
0x38: {  	s10 =	sld [smem:$0x3FB9]  }
0x39: {  	_ = 	snop;
	(pc) =	sbr.ind lr, $3  }
0x3a: {  	_ = 	snop  }
0x3b: {  	_ = 	snop  }
0x3c: {  	p2 =	seq.s32 s10, $0x1;
	s10 =	sld [smem:$0x3FB8]  }
0x3d: {  	_ =	shalt  }
0x3e: {  	_ =	shalt  }
0x3f: {  	_ =	shalt  }
0x40: {  	_ =	shalt  }
0x41: {  	_ =	shalt  }
0x42: {  	_ =	shalt  }
0x43: {  	_ =	shalt  }
0x44: {  	_ =	shalt  }
0x45: {  	_ =	shalt  }
0x46: {  	_ =	shalt  }
0x47: {  	_ =	shalt  }
0x48: {  	_ =	shalt  }
0x49: {  	_ =	shalt  }
0x4a: {  	_ =	shalt  }
0x4b: {  	_ =	shalt  }
0x4c: {  	_ =	shalt  }
0x4d: {  	_ =	shalt  }
0x4e: {  	_ =	shalt  }
0x4f: {  	_ =	shalt  }
0x50: {  	_ =	shalt  }
0x51: {  	_ =	shalt  }
0x52: {  	_ =	shalt  }
0x53: {  	_ =	shalt  }
0x54: {  	_ =	shalt  }
0x55: {  	_ =	shalt  }
0x56: {  	_ =	shalt  }
0x57: {  	_ =	shalt  }
0x58: {  	_ =	shalt  }
0x59: {  	_ =	shalt  }
0x5a: {  	_ =	shalt  }
0x5b: {  	_ =	shalt  }
0x5c: {  	_ =	shalt  }
0x5d: {  	_ =	shalt  }
0x5e: {  	_ =	shalt  }
0x5f: {  	_ =	shalt  }
0x60: {  	_ =	shalt  }
0x61: {  	_ =	shalt  }
0x62: {  	_ =	shalt  }
0x63: {  	_ =	shalt  }
0x64: {  	_ =	shalt  }
0x65: {  	_ =	shalt  }
0x66: {  	_ =	shalt  }
0x67: {  	_ =	shalt  }
0x68: {  	_ =	shalt  }
0x69: {  	_ =	shalt  }
0x6a: {  	_ =	shalt  }
0x6b: {  	_ =	shalt  }
0x6c: {  	_ =	shalt  }
0x6d: {  	_ =	shalt  }
0x6e: {  	_ =	shalt  }
0x6f: {  	_ =	shalt  }
0x70: {  	_ =	shalt  }
0x71: {  	_ =	shalt  }
0x72: {  	_ =	shalt  }
0x73: {  	_ =	shalt  }
0x74: {  	_ =	shalt  }
0x75: {  	_ =	shalt  }
0x76: {  	_ =	shalt  }
0x77: {  	_ =	shalt  }
0x78: {  	_ =	shalt  }
0x79: {  	_ =	shalt  }
0x7a: {  	_ =	shalt  }
0x7b: {  	_ =	shalt  }
0x7c: {  	_ =	shalt  }
0x7d: {  	_ =	shalt  }
0x7e: {  	_ =	shalt  }
0x7f: {  	_ =	shalt  }
0x80: {  	_ =	shalt  }
0x81: {  	_ =	shalt  }
0x82: {  	_ =	shalt  }
0x83: {  	_ =	shalt  }
0x84: {  	_ =	shalt  }
0x85: {  	_ =	shalt  }
0x86: {  	_ =	shalt  }
0x87: {  	_ =	shalt  }
.Lfunc_end0:
.L_simem_size_0:
called_computation_lowered:
.L_overlay_start_0:
0x88: {  	s2 =	sld [smem:$0x3FD9]  }
0x89: {  	s3 =	sld [smem:$0x3FFE];
	_ =	sdelay $0x1  }
0x8a: {  	s1 =	srdreg.scid  }
0x8b: {  	s0 =	sand.u32 $0x1, s1  }
0x8c: {  	s17 =	sshll.u32 s0, $0xA;
	s2 =	sadd.s32 s3, s2  }
0x8d: {  	s2 =	sadd.s32 s2, s17  }
0x8e: {  	[smem:$0x3FC4] =	sst s2  }
0x8f: {  	_ = 	snop  }
0x90: {  	s2 =	sld [smem:$0x3FC7];
	(tm) =	ssettm $0x1  }
0x91: {  	s18 =	sld [smem:$0x3FFB];
	_ =	sdelay $0x3  }
0x92: {  	_ =	strace s18  }
0x93: {  	s3 =	sld [smem:$0x3FFC];
	_ =	sdelay $0x3  }
0x94: {  	_ =	strace s3  }
0x95: {  	s3 =	sld [smem:$0x3FFD];
	_ =	sdelay $0x3  }
0x96: {  	_ =	strace s3  }
0x97: {  	_ =	strace $0x8FFFFFFF  }
0x98: {  	s19 =	sld [smem:$0x3FDB];
	_ =	sdelay $0x1  }
0x99: {  	s4 =	simm.s32 $_scs_section_size  }
0x9a: {  	s5 =	simm.s32 $_size__tile_overlayer_lowered;
	s6 =	simm.s32 $_tile_overlayer_lowered  }
0x9b: {  	s22 =	simm.s32 $0x1BFF;
	s21 =	sshll.u32 s6, $0x1;
	s3 =	sadd.s32 s4, s19  }
0x9c: {  	s7 =	simm.s32 $0x0;
	s20 =	sshll.u32 s5, $0x1;
	s5 =	sadd.s32 s21, s3  }
0x9d: {  	[timem:s7], [sflag:s22] =	dma.local [hbm:s5], s20  }
0x9e: {  	_ =	swait.ge [sflag:s22], s20  }
0x9f: {  	s4 =	ssub.s32 $0x0, s20;
	[sflag:s22] =	ssyncset.done $0x0  }
0xa0: {  	[sflag:s22] =	ssyncadd.s32 s4;
	_ =	sdelay $0x1  }
0xa1: {  	s23 =	simm.s32 $0x1B8B  }
0xa2: {  	_ =	swait.ge [sflag:s23], $0x1  }
0xa3: {  	[sflag:s23] =	ssyncset.done $0x0  }
0xa4: {  	s25 =	simm.s32 $0x1B8E;
	s24 =	sld [smem:$0x3FFE];
	[sflag:s23] =	ssyncadd.s32 $0xFFFFFFFF  }
0xa5: {  	s26 =	simm.s32 $execute0_lowered;
	[smem:$0x3FD2] =	sst s25  }
0xa6: {  	s5 =	sshll.u32 s26, $0x1;
	_ =	strace $0x80000046;
	[dreg:$0x1] =	wrdreg $0xFFFFFFFF  }
0xa7: {  	s28 =	simm.s32 $_size_execute0_lowered;
	s3 =	sadd.s32 s3, s5;
	[dreg:$0x0] =	wrdreg $0x0  }
0xa8: {  	s5 =	sshll.u32 s28, $0x1;
	[dreg:$0x2] =	wrdreg s3  }
0xa9: {  	[dreg:$0x3] =	wrdreg s5  }
0xaa: {  	[dreg:$0x4] =	wrdreg $0xC0  }
0xab: {  	_ =	task [dreg:s7], $0x5FFFF  }
0xac: {  	[dreg:$0x1] =	wrdreg $0xFFFFFFFF  }
0xad: {  	[dreg:$0x0] =	wrdreg $0x60  }
0xae: {  	[dreg:$0x2] =	wrdreg s24  }
0xaf: {  	[dreg:$0x3] =	wrdreg s2  }
0xb0: {  	[dreg:$0x4] =	wrdreg $0x9  }
0xb1: {  	_ =	task.clear_ibuf [dreg:s7], $0x5FFFF;
	_ =	strace $0x90000046  }
0xb2: {  	s29 =	simm.s32 $0x9;
	_ =	strace $0x80000048  }
0xb3: {  	_ =	swait.ge [sflag:s29], $0x1  }
0xb4: {  	[sflag:s29] =	ssyncadd.s32 $0xFFFFFFFF  }
0xb5: {  	_ =	strace $0x90000048  }
0xb6: {  	_ =	sfence  }
0xb7: {  	s30 =	sld [smem:$0x0];
	_ =	sdelay $0x2  }
0xb8: {  	s31 =	sshll.u32 s1, $0xD;
	s1 =	sshrl.u32 s1, $0x2  }
0xb9: {  	s3 =	sand.u32 $0x4000, s31;
	s1 =	sadd.s32 s1, s30  }
0xba: {  	s0 =	sor.u32 s3, s0;
	s1 =	sshll.u32 s1, $0x11  }
0xbb: {  	s0 =	sor.u32 s1, s0  }
0xbc: {  	s0 =	sadd.s32 $0x8F2B, s0  }
0xbd: {  	[sflag:s0] =	ssyncadd.remote.s32 $0x1  }
0xbe: {  	_ =	sfence.sel $0xFFFF  }
0xbf: {  	[dreg:$0x0] =	wrdreg $0xFFFFFFFF;
	(pc) =	sbr.abs _section_cstart, $3  }
0xc0: {  	[dreg:$0x1] =	wrdreg $0xFFFFFFFF  }
0xc1: {  	_ =	task.clear_ibuf [dreg:s7], $0x2FFFF;
	_ =	strace $0x9FFFFFFF  }
0xc2: {  	(tm) =	ssettm $0x7FFFFFFF  }
0xc3: {  	_ =	shalt  }
tec
execute0_lowered:
.L_overlay_start_1:
0x0: {  	(tag) =	ssettag $0x1  }
0x1: {  	s0 =	srdreg.scid  }
0x2: {  	s2 =	stileid.u32;
	s0 =	sand.u32 $0x1, s0  }
0x3: {  	s1 =	sor.u32 s0, s2  }
0x4: {  	p1 =	seq.s32 s0, $0x1;
	p0 =	seq.s32 s1, $0x0  }
0x5: {  	s4 =	rddreg [dreg:$0x0];
	p0 =	por !p0, !p1  }
0x6: {  	s6 =	rddreg [dreg:$0x1];
	s1 =	simm.s32 $0x1;
	p0 =	por !p0, !p0  }
0x7: {  	s10 =	sadd.s32 $0x11000, s4;
	s7 =	ssub.s32 $0x2, s0;
	s1 =	simm.s32 @!p0 $0x0  }
0x8: {  	s0 =	sshll.u32 s0, $0x8;
	s8 =	sshrl.u32 s7, $0x1;
	s1 =	ssub.s32 s2, s1  }
0x9: {  	s11 =	ssub.s32 s7, s8;
	s3 =	sshll.u32 s1, $0xF;
	s5 =	sshll.u32 s1, $0x7  }
0xa: {  	s2 =	simm.s32 $0x0;
	s3 =	sand.u32 $0xFFFC0000, s3;
	s5 =	sand.u32 $0x380, s5  }
0xb: {  	s13 =	smax.u32 s11, $0x1;
	[smem:$0x7FF] =	sst s2;
	s5 =	sor.u32 s5, s3  }
0xc: {  	s1 =	sshll.u32 s1, $0xD;
	_ =	strace $0x80000047;
	s5 =	sshrl.u32 s5, $0x3  }
0xd: {  	s0 =	sor.u32 s0, s1;
	[dreg:$0x4] =	wrdreg s13;
	s5 =	sadd.s32 s5, s4  }
0xe: {  	s3 =	simm.s32 $0x1;
	s0 =	sshrl.u32 s0, $0x3;
	s5 =	sadd.s32 $0x1000, s5  }
0xf: {  	s12 =	sor.u32 $0x10, s0;
	[dreg:$0x3] =	wrdreg s5;
	s5 =	sadd.s32 s6, s0  }
0x10: {  	s7 =	sadd.s32 s10, s0;
	s8 =	sadd.s32 s10, s12;
	s14 =	sadd.s32 $0x40, s5  }
0x11: {  	s6 =	sadd.s32 s6, s12;
	s15 =	sadd.s32 $0x80, s5;
	[dreg:$0x5] =	wrdreg s14  }
0x12: {  	s16 =	sadd.s32 $0xC0, s5;
	s17 =	sadd.s32 $0x100, s5;
	[dreg:$0x6] =	wrdreg s15  }
0x13: {  	s18 =	sadd.s32 $0x140, s5;
	s19 =	sadd.s32 $0x180, s5;
	[dreg:$0x7] =	wrdreg s16  }
0x14: {  	s20 =	sadd.s32 $0x1C0, s5;
	s21 =	sadd.s32 $0x200, s5;
	[dreg:$0x8] =	wrdreg s17  }
0x15: {  	s22 =	sadd.s32 $0x240, s5;
	s23 =	sadd.s32 $0x280, s5;
	[dreg:$0x9] =	wrdreg s18  }
0x16: {  	s24 =	sadd.s32 $0x2C0, s5;
	s25 =	sadd.s32 $0x300, s5;
	[dreg:$0xa] =	wrdreg s19  }
0x17: {  	s26 =	sadd.s32 $0x340, s5;
	s28 =	sadd.s32 $0xC0, s6;
	[dreg:$0xb] =	wrdreg s20  }
0x18: {  	s29 =	sadd.s32 $0x100, s6;
	s30 =	sadd.s32 $0x140, s6;
	[dreg:$0xc] =	wrdreg s21  }
0x19: {  	s31 =	sadd.s32 $0x180, s6;
	s1 =	sadd.s32 $0x1C0, s6;
	[dreg:$0xd] =	wrdreg s22  }
0x1a: {  	s0 =	sadd.s32 $0x200, s6;
	s4 =	sadd.s32 $0x240, s6;
	[dreg:$0xe] =	wrdreg s23  }
0x1b: {  	s9 =	sadd.s32 $0x280, s6;
	s10 =	sadd.s32 $0x2C0, s6;
	[dreg:$0xf] =	wrdreg s24  }
0x1c: {  	s11 =	sadd.s32 $0x300, s6;
	s12 =	sadd.s32 $0x340, s6;
	[dreg:$0x10] =	wrdreg s25  }
0x1d: {  	s13 =	sadd.s32 $0x380, s6;
	[dreg:$0x11] =	wrdreg s26;
	s23 =	sadd.s32 $0x380, s5  }
0x1e: {  	s24 =	sadd.s32 $0x3C0, s5;
	s25 =	sadd.s32 $0x40, s6;
	s26 =	sadd.s32 $0x80, s6  }
0x1f: {  	s14 =	sadd.s32 $0x3C0, s6;
	s15 =	simm.s32 $0x2;
	s16 =	simm.s32 $0x0  }
.LBB2_1:
0x20: {  	s17 =	rddreg [dreg:$0x3];
	s18 =	simm.s32 $0x80;
	s19 =	simm.s32 $0x400  }
0x21: {  	[tilespmem:s2], [sflag:$0x1] =	stream.strided.gather [hbm4b:s17+s18], $0x8000, s19, s18, $0x38;
	[tilespmem:$0xA000] =	vst v63  }
0x22: {  	s18 =	simm.s32 $0x8000  }
0x23: {  	[tilespmem:s18], [sflag:$0x1] =	stream.linear.gather [hbm4b:s5+s2], $0x80, $0x38;
	[tilespmem:$0xA000] =	vst v63  }
0x24: {  	s20 =	simm.s32 $0x8100;
	s19 =	rddreg [dreg:$0x5]  }
0x25: {  	[tilespmem:s20], [sflag:$0x1] =	stream.linear.gather [hbm4b:s19+s2], $0x80, $0x38;
	[tilespmem:$0xA000] =	vst v63  }
0x26: {  	s21 =	rddreg [dreg:$0x6];
	s22 =	simm.s32 $0x8200  }
0x27: {  	[tilespmem:s22], [sflag:$0x1] =	stream.linear.gather [hbm4b:s21+s2], $0x80, $0x38;
	[tilespmem:$0xA000] =	vst v63  }
0x28: {  	s19 =	rddreg [dreg:$0x7];
	s20 =	simm.s32 $0x8300  }
0x29: {  	[tilespmem:s20], [sflag:$0x1] =	stream.linear.gather [hbm4b:s19+s2], $0x80, $0x38;
	[tilespmem:$0xA000] =	vst v63  }
0x2a: {  	s21 =	rddreg [dreg:$0x8];
	s22 =	simm.s32 $0x8400  }
0x2b: {  	[tilespmem:s22], [sflag:$0x1] =	stream.linear.gather [hbm4b:s21+s2], $0x80, $0x38;
	[tilespmem:$0xA000] =	vst v63  }
0x2c: {  	s19 =	rddreg [dreg:$0x9];
	s20 =	simm.s32 $0x8500  }
0x2d: {  	[tilespmem:s20], [sflag:$0x1] =	stream.linear.gather [hbm4b:s19+s2], $0x80, $0x38;
	[tilespmem:$0xA000] =	vst v63  }
0x2e: {  	s21 =	rddreg [dreg:$0xa];
	s22 =	simm.s32 $0x8600  }
0x2f: {  	[tilespmem:s22], [sflag:$0x1] =	stream.linear.gather [hbm4b:s21+s2], $0x80, $0x38;
	[tilespmem:$0xA000] =	vst v63  }
0x30: {  	s19 =	rddreg [dreg:$0xb];
	s20 =	simm.s32 $0x8700  }
0x31: {  	[tilespmem:s20], [sflag:$0x1] =	stream.linear.gather [hbm4b:s19+s2], $0x80, $0x38;
	[tilespmem:$0xA000] =	vst v63  }
0x32: {  	s21 =	rddreg [dreg:$0xc];
	s22 =	simm.s32 $0x8800  }
0x33: {  	[tilespmem:s22], [sflag:$0x1] =	stream.linear.gather [hbm4b:s21+s2], $0x80, $0x38;
	[tilespmem:$0xA000] =	vst v63  }
0x34: {  	s19 =	rddreg [dreg:$0xd];
	s20 =	simm.s32 $0x8900  }
0x35: {  	[tilespmem:s20], [sflag:$0x1] =	stream.linear.gather [hbm4b:s19+s2], $0x80, $0x38;
	[tilespmem:$0xA000] =	vst v63  }
0x36: {  	s21 =	rddreg [dreg:$0xe];
	s22 =	simm.s32 $0x8A00  }
0x37: {  	[tilespmem:s22], [sflag:$0x1] =	stream.linear.gather [hbm4b:s21+s2], $0x80, $0x38;
	[tilespmem:$0xA000] =	vst v63  }
0x38: {  	s19 =	rddreg [dreg:$0xf];
	s20 =	simm.s32 $0x8B00  }
0x39: {  	[tilespmem:s20], [sflag:$0x1] =	stream.linear.gather [hbm4b:s19+s2], $0x80, $0x38;
	[tilespmem:$0xA000] =	vst v63  }
0x3a: {  	s21 =	rddreg [dreg:$0x10];
	s22 =	simm.s32 $0x8C00  }
0x3b: {  	[tilespmem:s22], [sflag:$0x1] =	stream.linear.gather [hbm4b:s21+s2], $0x80, $0x38;
	[tilespmem:$0xA000] =	vst v63  }
0x3c: {  	s19 =	rddreg [dreg:$0x11];
	s20 =	simm.s32 $0x8D00  }
0x3d: {  	[tilespmem:s20], [sflag:$0x1] =	stream.linear.gather [hbm4b:s19+s2], $0x80, $0x38;
	[tilespmem:$0xA000] =	vst v63  }
0x3e: {  	s21 =	simm.s32 $0x8E00  }
0x3f: {  	[tilespmem:s21], [sflag:$0x1] =	stream.linear.gather [hbm4b:s23+s2], $0x80, $0x38;
	[tilespmem:$0xA000] =	vst v63  }
0x40: {  	s22 =	simm.s32 $0x8F00  }
0x41: {  	[tilespmem:s22], [sflag:$0x1] =	stream.linear.gather [hbm4b:s24+s2], $0x80, $0x38;
	[tilespmem:$0xA000] =	vst v63  }
0x42: {  	s18 =	simm.s32 $0x8080  }
0x43: {  	[tilespmem:s18], [sflag:$0x1] =	stream.linear.gather [hbm4b:s6+s2], $0x80, $0x38;
	[tilespmem:$0xA000] =	vst v63  }
0x44: {  	s19 =	simm.s32 $0x8180  }
0x45: {  	[tilespmem:s19], [sflag:$0x1] =	stream.linear.gather [hbm4b:s25+s2], $0x80, $0x38;
	[tilespmem:$0xA000] =	vst v63  }
0x46: {  	s20 =	simm.s32 $0x8280  }
0x47: {  	[tilespmem:s20], [sflag:$0x1] =	stream.linear.gather [hbm4b:s26+s2], $0x80, $0x38;
	[tilespmem:$0xA000] =	vst v63  }
0x48: {  	s21 =	simm.s32 $0x8380  }
0x49: {  	[tilespmem:s21], [sflag:$0x1] =	stream.linear.gather [hbm4b:s28+s2], $0x80, $0x38;
	[tilespmem:$0xA000] =	vst v63  }
0x4a: {  	s22 =	simm.s32 $0x8480  }
0x4b: {  	[tilespmem:s22], [sflag:$0x1] =	stream.linear.gather [hbm4b:s29+s2], $0x80, $0x38;
	[tilespmem:$0xA000] =	vst v63  }
0x4c: {  	s18 =	simm.s32 $0x8580  }
0x4d: {  	[tilespmem:s18], [sflag:$0x1] =	stream.linear.gather [hbm4b:s30+s2], $0x80, $0x38;
	[tilespmem:$0xA000] =	vst v63  }
0x4e: {  	s19 =	simm.s32 $0x8680  }
0x4f: {  	[tilespmem:s19], [sflag:$0x1] =	stream.linear.gather [hbm4b:s31+s2], $0x80, $0x38;
	[tilespmem:$0xA000] =	vst v63  }
0x50: {  	s20 =	simm.s32 $0x8780  }
0x51: {  	[tilespmem:s20], [sflag:$0x1] =	stream.linear.gather [hbm4b:s1+s2], $0x80, $0x38;
	[tilespmem:$0xA000] =	vst v63  }
0x52: {  	s21 =	simm.s32 $0x8880  }
0x53: {  	[tilespmem:s21], [sflag:$0x1] =	stream.linear.gather [hbm4b:s0+s2], $0x80, $0x38;
	[tilespmem:$0xA000] =	vst v63  }
0x54: {  	s22 =	simm.s32 $0x8980  }
0x55: {  	[tilespmem:s22], [sflag:$0x1] =	stream.linear.gather [hbm4b:s4+s2], $0x80, $0x38;
	[tilespmem:$0xA000] =	vst v63  }
0x56: {  	s18 =	simm.s32 $0x8A80  }
0x57: {  	[tilespmem:s18], [sflag:$0x1] =	stream.linear.gather [hbm4b:s9+s2], $0x80, $0x38;
	[tilespmem:$0xA000] =	vst v63  }
0x58: {  	s19 =	simm.s32 $0x8B80  }
0x59: {  	[tilespmem:s19], [sflag:$0x1] =	stream.linear.gather [hbm4b:s10+s2], $0x80, $0x38;
	[tilespmem:$0xA000] =	vst v63  }
0x5a: {  	s20 =	simm.s32 $0x8C80  }
0x5b: {  	[tilespmem:s20], [sflag:$0x1] =	stream.linear.gather [hbm4b:s11+s2], $0x80, $0x38;
	[tilespmem:$0xA000] =	vst v63  }
0x5c: {  	s21 =	simm.s32 $0x8D80  }
0x5d: {  	[tilespmem:s21], [sflag:$0x1] =	stream.linear.gather [hbm4b:s12+s2], $0x80, $0x38;
	[tilespmem:$0xA000] =	vst v63  }
0x5e: {  	s22 =	simm.s32 $0x8E80  }
0x5f: {  	[tilespmem:s22], [sflag:$0x1] =	stream.linear.gather [hbm4b:s13+s2], $0x80, $0x38;
	[tilespmem:$0xA000] =	vst v63  }
0x60: {  	s18 =	simm.s32 $0x8F80  }
0x61: {  	[tilespmem:s18], [sflag:$0x1] =	stream.linear.gather [hbm4b:s14+s2], $0x80, $0x38;
	[tilespmem:$0xA000] =	vst v63  }
0x62: {  	_ =	swait.ge [sflag:s3], $0x8000  }
0x63: {  	[sflag:s3] =	ssyncset.done $0x0  }
0x64: {  	[sflag:s3] =	ssyncadd.s32 $0xFFFF8000  }
0x65: {  	_ =	swait.ge [sflag:s3], $0x800  }
0x66: {  	[sflag:s3] =	ssyncset.done $0x0  }
0x67: {  	[sflag:s3] =	ssyncadd.s32 $0xFFFFF800  }
0x68: {  	_ =	swait.ge [sflag:s3], $0x800  }
0x69: {  	s19 =	sand.u32 $0x70, s2;
	s20 =	sand.u32 $0xF00, s2;
	[sflag:s3] =	ssyncset.done $0x0  }
0x6a: {  	s17 =	sor.u32 s19, s20;
	[sflag:s3] =	ssyncadd.s32 $0xFFFFF800  }
0x6b: {  	v0 =	vld [tilespmem:s17+$0x8000];
	_ =	sdelay $0x3  }
0x6c: {  	s21 =	simm.s32 $0x10;
	s22 =	simm.s32 $0x20  }
0x6d: {  	s19 =	sand.u32 $0xF00, s22;
	s18 =	sand.u32 $0x70, s21;
	vm0 =	vlt.u32 v0, $0x8000  }
0x6e: {  	s18 =	sor.u32 s18, s19;
	v0 =	vnsel vm0, $0x0, v0  }
0x6f: {  	v1 =	vld [tilespmem:s18+$0x8000];
	_ =	sdelay $0x3  }
0x70: {  	v0 =	vld.idx.msk [tilespmem:v0+s2+$0x0], $0xffff  }
0x71: {  	s20 =	simm.s32 $0x20;
	s19 =	simm.s32 $0x40;
	vm1 =	vlt.u32 v1, $0x8000  }
0x72: {  	s21 =	sand.u32 $0x70, s20;
	s20 =	simm.s32 $0x30;
	s22 =	sand.u32 $0xF00, s19;
	vm0 =	vmmov vm0;
	v1 =	vnsel vm1, $0x0, v1  }
.LBB2_2:
0x73: {  	p0 =	sne.s32 s20, $0x7F0;
	s21 =	sor.u32 s21, s22  }
0x74: {  	v2 =	vld [tilespmem:s21+$0x8000]  }
0x75: {  	v0 =	vnsel vm0, $0x0, v0;
	vm0 =	vmmov vm1  }
.Ltmp0:
0x76: {  	[tilespmem:s17+$0x9000] =	vst v0;
	s17 =	smov.u32 s18;
	s18 =	smov.u32 s21;
	(pc) =	sbr.rel @p0 .LBB2_2-.Ltmp0, $3  }
0x77: {  	v0 =	vld.idx.msk [tilespmem:v1+s2+$0x0], $0xffff;
	_ =	sdelay $0x1  }
0x78: {  	s19 =	sadd.s32 $0x20, s19;
	vm1 =	vlt.u32 v2, $0x8000  }
0x79: {  	s22 =	sand.u32 $0xF00, s19;
	s21 =	sand.u32 $0x70, s20;
	s20 =	sadd.s32 $0x10, s20;
	v1 =	vnsel vm1, $0x0, v2  }
0x7a: {  	s19 =	sor.u32 s21, s22  }
0x7b: {  	v2 =	vld [tilespmem:s19+$0x8000];
	_ =	sdelay $0x1  }
0x7c: {  	v0 =	vnsel vm0, $0x0, v0  }
0x7d: {  	[tilespmem:s17+$0x9000] =	vst v0  }
0x7e: {  	v0 =	vld.idx.msk [tilespmem:v1+s2+$0x0], $0xffff  }
0x7f: {  	vm0 =	vlt.u32 v2, $0x8000  }
0x80: {  	v1 =	vnsel vm0, $0x0, v2;
	_ =	sdelay $0x1  }
0x81: {  	vm1 =	vmmov vm1  }
0x82: {  	v0 =	vnsel vm1, $0x0, v0  }
0x83: {  	[tilespmem:s18+$0x9000] =	vst v0  }
0x84: {  	v0 =	vld.idx.msk [tilespmem:v1+s2+$0x0], $0xffff;
	_ =	sdelay $0x3  }
0x85: {  	vm0 =	vmmov vm0  }
0x86: {  	v0 =	vnsel vm0, $0x0, v0  }
0x87: {  	s20 =	simm.s32 $0x9000;
	s17 =	simm.s32 $0x0;
	[tilespmem:s19+$0x9000] =	vst v0  }
0x88: {  	[hbm4b:s7+s17] =	stream.linear.scatter [tilespmem:s20], [sflag:$0x2], $0x80, $0x38;
	[tilespmem:$0xA000] =	vst v63  }
0x89: {  	s21 =	sadd.s32 $0x40, s7;
	s22 =	simm.s32 $0x9100  }
0x8a: {  	[hbm4b:s21+s17] =	stream.linear.scatter [tilespmem:s22], [sflag:$0x2], $0x80, $0x38;
	[tilespmem:$0xA000] =	vst v63  }
0x8b: {  	s19 =	sadd.s32 $0x80, s7;
	s20 =	simm.s32 $0x9200  }
0x8c: {  	[hbm4b:s19+s17] =	stream.linear.scatter [tilespmem:s20], [sflag:$0x2], $0x80, $0x38;
	[tilespmem:$0xA000] =	vst v63  }
0x8d: {  	s21 =	sadd.s32 $0xC0, s7;
	s22 =	simm.s32 $0x9300  }
0x8e: {  	[hbm4b:s21+s17] =	stream.linear.scatter [tilespmem:s22], [sflag:$0x2], $0x80, $0x38;
	[tilespmem:$0xA000] =	vst v63  }
0x8f: {  	s19 =	sadd.s32 $0x100, s7;
	s20 =	simm.s32 $0x9400  }
0x90: {  	[hbm4b:s19+s17] =	stream.linear.scatter [tilespmem:s20], [sflag:$0x2], $0x80, $0x38;
	[tilespmem:$0xA000] =	vst v63  }
0x91: {  	s21 =	sadd.s32 $0x140, s7;
	s22 =	simm.s32 $0x9500  }
0x92: {  	[hbm4b:s21+s17] =	stream.linear.scatter [tilespmem:s22], [sflag:$0x2], $0x80, $0x38;
	[tilespmem:$0xA000] =	vst v63  }
0x93: {  	s19 =	sadd.s32 $0x180, s7;
	s20 =	simm.s32 $0x9600  }
0x94: {  	[hbm4b:s19+s17] =	stream.linear.scatter [tilespmem:s20], [sflag:$0x2], $0x80, $0x38;
	[tilespmem:$0xA000] =	vst v63  }
0x95: {  	s21 =	sadd.s32 $0x1C0, s7;
	s22 =	simm.s32 $0x9700  }
0x96: {  	[hbm4b:s21+s17] =	stream.linear.scatter [tilespmem:s22], [sflag:$0x2], $0x80, $0x38;
	[tilespmem:$0xA000] =	vst v63  }
0x97: {  	s19 =	sadd.s32 $0x200, s7;
	s20 =	simm.s32 $0x9800  }
0x98: {  	[hbm4b:s19+s17] =	stream.linear.scatter [tilespmem:s20], [sflag:$0x2], $0x80, $0x38;
	[tilespmem:$0xA000] =	vst v63  }
0x99: {  	s21 =	sadd.s32 $0x240, s7;
	s22 =	simm.s32 $0x9900  }
0x9a: {  	[hbm4b:s21+s17] =	stream.linear.scatter [tilespmem:s22], [sflag:$0x2], $0x80, $0x38;
	[tilespmem:$0xA000] =	vst v63  }
0x9b: {  	s19 =	sadd.s32 $0x280, s7;
	s20 =	simm.s32 $0x9A00  }
0x9c: {  	[hbm4b:s19+s17] =	stream.linear.scatter [tilespmem:s20], [sflag:$0x2], $0x80, $0x38;
	[tilespmem:$0xA000] =	vst v63  }
0x9d: {  	s21 =	sadd.s32 $0x2C0, s7;
	s22 =	simm.s32 $0x9B00  }
0x9e: {  	[hbm4b:s21+s17] =	stream.linear.scatter [tilespmem:s22], [sflag:$0x2], $0x80, $0x38;
	[tilespmem:$0xA000] =	vst v63  }
0x9f: {  	s19 =	sadd.s32 $0x300, s7;
	s20 =	simm.s32 $0x9C00  }
0xa0: {  	[hbm4b:s19+s17] =	stream.linear.scatter [tilespmem:s20], [sflag:$0x2], $0x80, $0x38;
	[tilespmem:$0xA000] =	vst v63  }
0xa1: {  	s21 =	sadd.s32 $0x340, s7;
	s22 =	simm.s32 $0x9D00  }
0xa2: {  	[hbm4b:s21+s17] =	stream.linear.scatter [tilespmem:s22], [sflag:$0x2], $0x80, $0x38;
	[tilespmem:$0xA000] =	vst v63  }
0xa3: {  	s19 =	sadd.s32 $0x380, s7;
	s20 =	simm.s32 $0x9E00  }
0xa4: {  	[hbm4b:s19+s17] =	stream.linear.scatter [tilespmem:s20], [sflag:$0x2], $0x80, $0x38;
	[tilespmem:$0xA000] =	vst v63  }
0xa5: {  	s21 =	sadd.s32 $0x3C0, s7;
	s22 =	simm.s32 $0x9F00  }
0xa6: {  	[hbm4b:s21+s17] =	stream.linear.scatter [tilespmem:s22], [sflag:$0x2], $0x80, $0x38;
	[tilespmem:$0xA000] =	vst v63  }
0xa7: {  	s20 =	sand.u32 $0x70, s17;
	s17 =	sand.u32 $0xF00, s17  }
0xa8: {  	s17 =	sor.u32 s17, s20  }
0xa9: {  	v0 =	vld [tilespmem:s17+$0x8080];
	_ =	sdelay $0x3  }
0xaa: {  	s21 =	simm.s32 $0x10;
	s22 =	simm.s32 $0x20  }
0xab: {  	s18 =	sand.u32 $0x70, s21;
	s19 =	sand.u32 $0xF00, s22;
	vm0 =	vlt.u32 v0, $0x8000  }
0xac: {  	s18 =	sor.u32 s19, s18;
	v0 =	vnsel vm0, $0x0, v0  }
0xad: {  	v1 =	vld [tilespmem:s18+$0x8080];
	_ =	sdelay $0x3  }
0xae: {  	v0 =	vld.idx.msk [tilespmem:v0+s2+$0x0], $0xffff  }
0xaf: {  	s20 =	simm.s32 $0x20;
	s19 =	simm.s32 $0x40;
	vm1 =	vlt.u32 v1, $0x8000  }
0xb0: {  	s21 =	sand.u32 $0x70, s20;
	s20 =	simm.s32 $0x30;
	s22 =	sand.u32 $0xF00, s19;
	vm0 =	vmmov vm0;
	v1 =	vnsel vm1, $0x0, v1  }
.LBB2_4:
0xb1: {  	p0 =	sne.s32 s20, $0x7F0;
	s21 =	sor.u32 s22, s21  }
0xb2: {  	v2 =	vld [tilespmem:s21+$0x8080]  }
0xb3: {  	v0 =	vnsel vm0, $0x0, v0;
	vm0 =	vmmov vm1  }
.Ltmp1:
0xb4: {  	[tilespmem:s17+$0x9080] =	vst v0;
	s17 =	smov.u32 s18;
	s18 =	smov.u32 s21;
	(pc) =	sbr.rel @p0 .LBB2_4-.Ltmp1, $3  }
0xb5: {  	v0 =	vld.idx.msk [tilespmem:v1+s2+$0x0], $0xffff;
	_ =	sdelay $0x1  }
0xb6: {  	s19 =	sadd.s32 $0x20, s19;
	vm1 =	vlt.u32 v2, $0x8000  }
0xb7: {  	s22 =	sand.u32 $0xF00, s19;
	s21 =	sand.u32 $0x70, s20;
	s20 =	sadd.s32 $0x10, s20;
	v1 =	vnsel vm1, $0x0, v2  }
0xb8: {  	s19 =	sor.u32 s22, s21  }
0xb9: {  	v2 =	vld [tilespmem:s19+$0x8080];
	_ =	sdelay $0x1  }
0xba: {  	v0 =	vnsel vm0, $0x0, v0  }
0xbb: {  	[tilespmem:s17+$0x9080] =	vst v0  }
0xbc: {  	v0 =	vld.idx.msk [tilespmem:v1+s2+$0x0], $0xffff  }
0xbd: {  	vm15 =	vlt.u32 v2, $0x8000  }
0xbe: {  	v63 =	vnsel vm15, $0x0, v2;
	_ =	sdelay $0x1  }
0xbf: {  	vm1 =	vmmov vm1  }
0xc0: {  	v0 =	vnsel vm1, $0x0, v0  }
0xc1: {  	[tilespmem:s18+$0x9080] =	vst v0  }
0xc2: {  	v0 =	vld.idx.msk [tilespmem:v63+s2+$0x0], $0xffff;
	_ =	sdelay $0x3  }
0xc3: {  	vm0 =	vmmov vm15  }
0xc4: {  	v0 =	vnsel vm0, $0x0, v0  }
0xc5: {  	s20 =	simm.s32 $0x9080;
	[tilespmem:s19+$0x9080] =	vst v0  }
0xc6: {  	[hbm4b:s8+s2] =	stream.linear.scatter [tilespmem:s20], [sflag:$0x2], $0x80, $0x38;
	[tilespmem:$0xA000] =	vst v63  }
0xc7: {  	s21 =	sadd.s32 $0x40, s8;
	s22 =	simm.s32 $0x9180  }
0xc8: {  	[hbm4b:s21+s2] =	stream.linear.scatter [tilespmem:s22], [sflag:$0x2], $0x80, $0x38;
	[tilespmem:$0xA000] =	vst v63  }
0xc9: {  	s19 =	sadd.s32 $0x80, s8;
	s20 =	simm.s32 $0x9280  }
0xca: {  	[hbm4b:s19+s2] =	stream.linear.scatter [tilespmem:s20], [sflag:$0x2], $0x80, $0x38;
	[tilespmem:$0xA000] =	vst v63  }
0xcb: {  	s21 =	sadd.s32 $0xC0, s8;
	s22 =	simm.s32 $0x9380  }
0xcc: {  	[hbm4b:s21+s2] =	stream.linear.scatter [tilespmem:s22], [sflag:$0x2], $0x80, $0x38;
	[tilespmem:$0xA000] =	vst v63  }
0xcd: {  	s19 =	sadd.s32 $0x100, s8;
	s20 =	simm.s32 $0x9480  }
0xce: {  	[hbm4b:s19+s2] =	stream.linear.scatter [tilespmem:s20], [sflag:$0x2], $0x80, $0x38;
	[tilespmem:$0xA000] =	vst v63  }
0xcf: {  	s21 =	sadd.s32 $0x140, s8;
	s22 =	simm.s32 $0x9580  }
0xd0: {  	[hbm4b:s21+s2] =	stream.linear.scatter [tilespmem:s22], [sflag:$0x2], $0x80, $0x38;
	[tilespmem:$0xA000] =	vst v63  }
0xd1: {  	s19 =	sadd.s32 $0x180, s8;
	s20 =	simm.s32 $0x9680  }
0xd2: {  	[hbm4b:s19+s2] =	stream.linear.scatter [tilespmem:s20], [sflag:$0x2], $0x80, $0x38;
	[tilespmem:$0xA000] =	vst v63  }
0xd3: {  	s21 =	sadd.s32 $0x1C0, s8;
	s22 =	simm.s32 $0x9780  }
0xd4: {  	[hbm4b:s21+s2] =	stream.linear.scatter [tilespmem:s22], [sflag:$0x2], $0x80, $0x38;
	[tilespmem:$0xA000] =	vst v63  }
0xd5: {  	s19 =	sadd.s32 $0x200, s8;
	s20 =	simm.s32 $0x9880  }
0xd6: {  	[hbm4b:s19+s2] =	stream.linear.scatter [tilespmem:s20], [sflag:$0x2], $0x80, $0x38;
	[tilespmem:$0xA000] =	vst v63  }
0xd7: {  	s21 =	sadd.s32 $0x240, s8;
	s22 =	simm.s32 $0x9980  }
0xd8: {  	[hbm4b:s21+s2] =	stream.linear.scatter [tilespmem:s22], [sflag:$0x2], $0x80, $0x38;
	[tilespmem:$0xA000] =	vst v63  }
0xd9: {  	s19 =	sadd.s32 $0x280, s8;
	s20 =	simm.s32 $0x9A80  }
0xda: {  	[hbm4b:s19+s2] =	stream.linear.scatter [tilespmem:s20], [sflag:$0x2], $0x80, $0x38;
	[tilespmem:$0xA000] =	vst v63  }
0xdb: {  	s21 =	sadd.s32 $0x2C0, s8;
	s22 =	simm.s32 $0x9B80  }
0xdc: {  	[hbm4b:s21+s2] =	stream.linear.scatter [tilespmem:s22], [sflag:$0x2], $0x80, $0x38;
	[tilespmem:$0xA000] =	vst v63  }
0xdd: {  	s19 =	sadd.s32 $0x300, s8;
	s20 =	simm.s32 $0x9C80  }
0xde: {  	[hbm4b:s19+s2] =	stream.linear.scatter [tilespmem:s20], [sflag:$0x2], $0x80, $0x38;
	[tilespmem:$0xA000] =	vst v63  }
0xdf: {  	s21 =	sadd.s32 $0x340, s8;
	s22 =	simm.s32 $0x9D80  }
0xe0: {  	[hbm4b:s21+s2] =	stream.linear.scatter [tilespmem:s22], [sflag:$0x2], $0x80, $0x38;
	[tilespmem:$0xA000] =	vst v63  }
0xe1: {  	s18 =	sadd.s32 $0x380, s8;
	s19 =	simm.s32 $0x9E80  }
0xe2: {  	[hbm4b:s18+s2] =	stream.linear.scatter [tilespmem:s19], [sflag:$0x2], $0x80, $0x38;
	[tilespmem:$0xA000] =	vst v63  }
0xe3: {  	s20 =	sadd.s32 $0x3C0, s8;
	s21 =	simm.s32 $0x9F80  }
0xe4: {  	[hbm4b:s20+s2] =	stream.linear.scatter [tilespmem:s21], [sflag:$0x2], $0x80, $0x38;
	[tilespmem:$0xA000] =	vst v63  }
0xe5: {  	_ =	swait.ge [sflag:s15], $0x800  }
0xe6: {  	[sflag:s15] =	ssyncset.done $0x0  }
0xe7: {  	[sflag:s15] =	ssyncadd.s32 $0xFFFFF800  }
0xe8: {  	_ =	swait.ge [sflag:s15], $0x800  }
0xe9: {  	s16 =	sadd.s32 $0x1, s16;
	s22 =	rddreg [dreg:$0x4]  }
0xea: {  	p0 =	sne.s32 s16, s22  }
.Ltmp2:
0xeb: {  	_ = 	snop;
	(pc) =	sbr.rel @p0 .LBB2_1-.Ltmp2, $3  }
0xec: {  	_ =	sdelay $0x1  }
0xed: {  	[sflag:s15] =	ssyncset.done $0x0  }
0xee: {  	[sflag:s15] =	ssyncadd.s32 $0xFFFFF800  }
0xef: {  	_ =	sfence.sel $0x180000  }
0xf0: {  	[bflag:$0x0] =	sbarrier.arrive $0xFFFF  }
0xf1: {  	_ =	strace $0x90000047  }
0xf2: {  	s0 =	stileid.u32;
	[bflag:$0x2] =	sbarrier.arrive $0xFFFF  }
0xf3: {  	p0 =	sne.s32 s0, $0x0;
	s0 =	rddreg [dreg:$0x2]  }
0xf4: {  	s0 =	sadd.s32 @!p0 $0x100000, s0  }
0xf5: {  	[sflag:s0] =	ssyncadd.tile.s32 @!p0 $0x1;
	_ =	shalt  }
.Lfunc_end2:
_tile_overlayer_lowered:
.L_overlay_start_2:
0xf6: {  	(tag) =	ssettag $0x2  }
0xf7: {  	s0 =	rddreg [dreg:$0x0];
	s2 =	stileid.u32  }
0xf8: {  	s1 =	rddreg [dreg:$0x1];
	p0 =	sne.s32 s2, $0x0  }
0xf9: {  	s3 =	rddreg [dreg:$0x2];
	[bflag:$0x3] =	sbarrier.arrive $0xFFFF;
	s2 =	simm.s32 @!p0 $0x1C03  }
0xfa: {  	[timem:s3], [sflag:s2] =	dma.local @!p0 [hbm:s0], s1  }
0xfb: {  	s0 =	simm.s32 @!p0 $0x3  }
0xfc: {  	_ =	swait.ge @!p0 [sflag:s0], s1  }
0xfd: {  	s1 =	ssub.s32 @!p0 $0x0, s1;
	[sflag:s0] =	ssyncset.done @!p0 $0x0  }
0xfe: {  	[sflag:s0] =	ssyncadd.s32 @!p0 s1  }
0xff: {  	[bflag:$0x3] =	sbarrier.arrive $0xFFFF  }
0x100: {  	_ =	shalt  }

// kernel: kernel.9.cloned.1.call-start
scs
__scs_entry_jumppad:
0x0: {  	(pc) =	sbr.rel $0x88, $3  }
0x1: {  	(tag) =	ssettag $0x0;
	lr =	simm.s32 $0x1  }
0x2: {  	[smem:$0x3F9D] =	sst lr;
	_ =	strace $0xD0000000  }
0x3: {  	_ = 	snop  }
0x4: {  	_ = 	snop  }
0x5: {  	_ = 	snop  }
0x6: {  	_ = 	snop  }
0x7: {  	_ = 	snop  }
__scs_overlays_trampoline_lowered:
0x8: {  	[smem:$0x3FAC] =	sst s0  }
0x9: {  	[smem:$0x3FAD] =	sst s1  }
0xa: {  	[smem:$0x3FAE] =	sst s2  }
0xb: {  	[smem:$0x3FAF] =	sst s3  }
0xc: {  	[smem:$0x3FB0] =	sst s4  }
0xd: {  	[smem:$0x3FB1] =	sst s5  }
0xe: {  	[smem:$0x3FB2] =	sst s6  }
0xf: {  	[smem:$0x3FB3] =	sst s7  }
0x10: {  	[smem:$0x3FB4] =	sst s8  }
0x11: {  	[smem:$0x3FB5] =	sst s9;
	s0 =	simm.s32 @!p0 $0x0  }
0x12: {  	s1 =	sld [smem:$0x3F9B];
	s0 =	simm.s32 @p0 $0x1  }
0x13: {  	[smem:$0x3FB6] =	sst s0;
	s0 =	simm.s32 @!p1 $0x0  }
0x14: {  	s2 =	sld [smem:$0x3F9A];
	s0 =	simm.s32 @p1 $0x1  }
0x15: {  	[smem:$0x3FB7] =	sst s0;
	s0 =	simm.s32 @!p2 $0x0  }
0x16: {  	s3 =	sld [smem:$0x3FDB];
	s0 =	simm.s32 @p2 $0x1  }
0x17: {  	s4 =	simm.s32 $0x1BF5;
	[smem:$0x3FB9] =	sst s0  }
0x18: {  	s0 =	sld [smem:$0x3F9C];
	_ =	swait.ge [sflag:s4], $0x0  }
0x19: {  	s7 =	sld [smem:$0x3F9D]  }
0x1a: {  	s8 =	sadd.s32 $0xFFFFE003, lr  }
0x1b: {  	s9 =	sadd.s32 $0xFFFFFEF7, lr;
	s5 =	simm.s32 $0xFFFFFFFF;
	p2 =	slt.u32 s8, $0xFFFFF086  }
0x1c: {  	p1 =	slt.u32 s9, $0xF7A;
	s5 =	simm.s32 @!p2 $0x0  }
0x1d: {  	s5 =	simm.s32 @p1 $0x1;
	p0 =	seq.s32 s7, s2  }
0x1e: {  	s7 =	smul.u32 @!p0 $0xF7A, s2;
	p2 =	seq.s32 @!p0 s5, $0x0  }
0x1f: {  	s9 =	smul.u32 $0xF7A, s1;
	s8 =	simm.s32 @!p0 $0x1BF5;
	p2 =	por !p2, p0  }
0x20: {  	[sflag:s8] =	ssyncset.s32 @!p0 $0xFFFFF086;
	s6 =	sadd.s32 @!p0 s3, s7;
	s7 =	simm.s32 @!p0 $0x108  }
0x21: {  	s3 =	sadd.s32 s3, s9;
	s6 =	sadd.s32 @!p0 $0x88, s6;
	s7 =	simm.s32 @p2 $0x1082  }
0x22: {  	[simem:s7], [sflag:s8] =	dma.local @!p0 [hbm:s6], $0xF7A  }
0x23: {  	s9 =	sor.u32 $0xD0000000, s2;
	s6 =	simm.s32 $0x108;
	_ =	swait.ge @!p0 [sflag:s8], $0x0  }
0x24: {  	s3 =	sadd.s32 $0x88, s3;
	s6 =	simm.s32 @!p1 $0x1082;
	[sflag:s4] =	ssyncset.s32 $0xFFFFF086  }
0x25: {  	[simem:s6], [sflag:s4] =	dma.local [hbm:s3], $0xF7A  }
0x26: {  	[smem:$0x3F9D] =	sst s1;
	(tag) =	ssettag s2;
	_ =	strace s9  }
0x27: {  	s1 =	sld [smem:$0x3FAD]  }
0x28: {  	s2 =	sld [smem:$0x3FAE]  }
0x29: {  	s4 =	sld [smem:$0x3FB0]  }
0x2a: {  	p0 =	seq.s32 s5, $0x0;
	s5 =	sld [smem:$0x3FB1]  }
0x2b: {  	s6 =	sld [smem:$0x3FB2]  }
0x2c: {  	s7 =	sld [smem:$0x3FB3]  }
0x2d: {  	s3 =	simm.s32 $0x108;
	s8 =	sld [smem:$0x3FB4]  }
0x2e: {  	s3 =	simm.s32 @!p0 $0x1082;
	s9 =	sld [smem:$0x3FB5]  }
0x2f: {  	lr =	sadd.s32 s0, s3;
	s0 =	sld [smem:$0x3FAC]  }
0x30: {  	s3 =	sld [smem:$0x3FAF]  }
0x31: {  	[smem:$0x3FB8] =	sst s10  }
0x32: {  	s10 =	sld [smem:$0x3FB6];
	_ =	sdelay $0x3  }
0x33: {  	p0 =	seq.s32 s10, $0x1;
	s10 =	sld [smem:$0x3FB8];
	_ =	sdelay $0x3  }
0x34: {  	[smem:$0x3FB8] =	sst s10  }
0x35: {  	s10 =	sld [smem:$0x3FB7];
	_ =	sdelay $0x3  }
0x36: {  	p1 =	seq.s32 s10, $0x1;
	s10 =	sld [smem:$0x3FB8];
	_ =	sdelay $0x3  }
0x37: {  	[smem:$0x3FB8] =	sst s10  }
0x38: {  	s10 =	sld [smem:$0x3FB9]  }
0x39: {  	_ = 	snop;
	(pc) =	sbr.ind lr, $3  }
0x3a: {  	_ = 	snop  }
0x3b: {  	_ = 	snop  }
0x3c: {  	p2 =	seq.s32 s10, $0x1;
	s10 =	sld [smem:$0x3FB8]  }
0x3d: {  	_ =	shalt  }
0x3e: {  	_ =	shalt  }
0x3f: {  	_ =	shalt  }
0x40: {  	_ =	shalt  }
0x41: {  	_ =	shalt  }
0x42: {  	_ =	shalt  }
0x43: {  	_ =	shalt  }
0x44: {  	_ =	shalt  }
0x45: {  	_ =	shalt  }
0x46: {  	_ =	shalt  }
0x47: {  	_ =	shalt  }
0x48: {  	_ =	shalt  }
0x49: {  	_ =	shalt  }
0x4a: {  	_ =	shalt  }
0x4b: {  	_ =	shalt  }
0x4c: {  	_ =	shalt  }
0x4d: {  	_ =	shalt  }
0x4e: {  	_ =	shalt  }
0x4f: {  	_ =	shalt  }
0x50: {  	_ =	shalt  }
0x51: {  	_ =	shalt  }
0x52: {  	_ =	shalt  }
0x53: {  	_ =	shalt  }
0x54: {  	_ =	shalt  }
0x55: {  	_ =	shalt  }
0x56: {  	_ =	shalt  }
0x57: {  	_ =	shalt  }
0x58: {  	_ =	shalt  }
0x59: {  	_ =	shalt  }
0x5a: {  	_ =	shalt  }
0x5b: {  	_ =	shalt  }
0x5c: {  	_ =	shalt  }
0x5d: {  	_ =	shalt  }
0x5e: {  	_ =	shalt  }
0x5f: {  	_ =	shalt  }
0x60: {  	_ =	shalt  }
0x61: {  	_ =	shalt  }
0x62: {  	_ =	shalt  }
0x63: {  	_ =	shalt  }
0x64: {  	_ =	shalt  }
0x65: {  	_ =	shalt  }
0x66: {  	_ =	shalt  }
0x67: {  	_ =	shalt  }
0x68: {  	_ =	shalt  }
0x69: {  	_ =	shalt  }
0x6a: {  	_ =	shalt  }
0x6b: {  	_ =	shalt  }
0x6c: {  	_ =	shalt  }
0x6d: {  	_ =	shalt  }
0x6e: {  	_ =	shalt  }
0x6f: {  	_ =	shalt  }
0x70: {  	_ =	shalt  }
0x71: {  	_ =	shalt  }
0x72: {  	_ =	shalt  }
0x73: {  	_ =	shalt  }
0x74: {  	_ =	shalt  }
0x75: {  	_ =	shalt  }
0x76: {  	_ =	shalt  }
0x77: {  	_ =	shalt  }
0x78: {  	_ =	shalt  }
0x79: {  	_ =	shalt  }
0x7a: {  	_ =	shalt  }
0x7b: {  	_ =	shalt  }
0x7c: {  	_ =	shalt  }
0x7d: {  	_ =	shalt  }
0x7e: {  	_ =	shalt  }
0x7f: {  	_ =	shalt  }
0x80: {  	_ =	shalt  }
0x81: {  	_ =	shalt  }
0x82: {  	_ =	shalt  }
0x83: {  	_ =	shalt  }
0x84: {  	_ =	shalt  }
0x85: {  	_ =	shalt  }
0x86: {  	_ =	shalt  }
0x87: {  	_ =	shalt  }
.Lfunc_end0:
.L_simem_size_0:
called_computation.1_lowered:
.L_overlay_start_0:
0x88: {  	s2 =	sld [smem:$0x3FD9]  }
0x89: {  	s3 =	sld [smem:$0x3FFE];
	_ =	sdelay $0x1  }
0x8a: {  	s1 =	srdreg.scid  }
0x8b: {  	s0 =	sand.u32 $0x1, s1  }
0x8c: {  	s14 =	sshll.u32 s0, $0xA;
	s2 =	sadd.s32 s3, s2  }
0x8d: {  	s2 =	sadd.s32 s2, s14  }
0x8e: {  	[smem:$0x3FC4] =	sst s2  }
0x8f: {  	_ = 	snop  }
0x90: {  	s2 =	sld [smem:$0x3FD0];
	_ =	sdelay $0x2  }
0x91: {  	s4 =	simm.s32 $0xA;
	s5 =	simm.s32 $0x10;
	s15 =	sld [smem:$0x3FC7]  }
0x92: {  	[smem:s5], [sflag:s4] =	dma.local [hbm:s2], $0x1  }
0x93: {  	_ =	swait.eq [sflag:s4], $0x1  }
0x94: {  	[sflag:s4] =	ssyncset.done $0x0  }
0x95: {  	s16 =	sld [smem:$0x10];
	[sflag:s4] =	ssyncadd.s32 $0xFFFFFFFF  }
0x96: {  	s17 =	sld [smem:$0x11];
	(tm) =	ssettm $0x1  }
0x97: {  	s18 =	sld [smem:$0x3FFB];
	_ =	sdelay $0x3  }
0x98: {  	_ =	strace s18  }
0x99: {  	s5 =	sld [smem:$0x3FFC];
	_ =	sdelay $0x3  }
0x9a: {  	_ =	strace s5  }
0x9b: {  	s5 =	sld [smem:$0x3FFD];
	_ =	sdelay $0x3  }
0x9c: {  	_ =	strace s5  }
0x9d: {  	_ =	strace $0x8FFFFFFF  }
0x9e: {  	s19 =	sld [smem:$0x3FDB];
	_ =	sdelay $0x1  }
0x9f: {  	s6 =	simm.s32 $_scs_section_size  }
0xa0: {  	s7 =	simm.s32 $_size__tile_overlayer_lowered;
	s8 =	simm.s32 $_tile_overlayer_lowered  }
0xa1: {  	s22 =	simm.s32 $0x1BFF;
	s21 =	sshll.u32 s8, $0x1;
	s5 =	sadd.s32 s6, s19  }
0xa2: {  	s9 =	simm.s32 $0x0;
	s20 =	sshll.u32 s7, $0x1;
	s7 =	sadd.s32 s21, s5  }
0xa3: {  	[timem:s9], [sflag:s22] =	dma.local [hbm:s7], s20  }
0xa4: {  	_ =	swait.ge [sflag:s22], s20  }
0xa5: {  	s6 =	ssub.s32 $0x0, s20;
	[sflag:s22] =	ssyncset.done $0x0  }
0xa6: {  	[sflag:s22] =	ssyncadd.s32 s6;
	_ =	sdelay $0x1  }
0xa7: {  	s23 =	simm.s32 $0x1B8B  }
0xa8: {  	_ =	swait.ge [sflag:s23], $0x1  }
0xa9: {  	[sflag:s23] =	ssyncset.done $0x0  }
0xaa: {  	s25 =	simm.s32 $0x1B8E;
	s24 =	sld [smem:$0x3FFE];
	[sflag:s23] =	ssyncadd.s32 $0xFFFFFFFF  }
0xab: {  	s26 =	simm.s32 $execute0_lowered;
	[smem:$0x3FD2] =	sst s25  }
0xac: {  	s7 =	sshll.u32 s26, $0x1;
	_ =	strace $0x80000049;
	[dreg:$0x1] =	wrdreg $0xFFFFFFFF  }
0xad: {  	s28 =	simm.s32 $_size_execute0_lowered;
	s5 =	sadd.s32 s5, s7;
	[dreg:$0x0] =	wrdreg $0x0  }
0xae: {  	s7 =	sshll.u32 s28, $0x1;
	[dreg:$0x2] =	wrdreg s5  }
0xaf: {  	[dreg:$0x3] =	wrdreg s7  }
0xb0: {  	[dreg:$0x4] =	wrdreg $0xC0  }
0xb1: {  	_ =	task [dreg:s9], $0x5FFFF  }
0xb2: {  	[dreg:$0x1] =	wrdreg $0xFFFFFFFF  }
0xb3: {  	[dreg:$0x0] =	wrdreg $0x60  }
0xb4: {  	[dreg:$0x2] =	wrdreg s24  }
0xb5: {  	[dreg:$0x3] =	wrdreg s15  }
0xb6: {  	[dreg:$0x4] =	wrdreg s17  }
0xb7: {  	[dreg:$0x5] =	wrdreg s16  }
0xb8: {  	[dreg:$0x6] =	wrdreg $0x9  }
0xb9: {  	_ =	task.clear_ibuf [dreg:s9], $0x7FFFF;
	_ =	strace $0x90000049  }
0xba: {  	s29 =	simm.s32 $0x9;
	_ =	strace $0x8000004B  }
0xbb: {  	_ =	swait.ge [sflag:s29], $0x1  }
0xbc: {  	[sflag:s29] =	ssyncadd.s32 $0xFFFFFFFF  }
0xbd: {  	_ =	strace $0x9000004B  }
0xbe: {  	_ =	sfence  }
0xbf: {  	s30 =	sld [smem:$0x0];
	_ =	sdelay $0x2  }
0xc0: {  	s31 =	sshll.u32 s1, $0xD;
	s1 =	sshrl.u32 s1, $0x2  }
0xc1: {  	s3 =	sand.u32 $0x4000, s31;
	s1 =	sadd.s32 s1, s30  }
0xc2: {  	s0 =	sor.u32 s3, s0;
	s1 =	sshll.u32 s1, $0x11  }
0xc3: {  	s0 =	sor.u32 s1, s0  }
0xc4: {  	s0 =	sadd.s32 $0x8F2B, s0  }
0xc5: {  	[sflag:s0] =	ssyncadd.remote.s32 $0x1  }
0xc6: {  	_ =	sfence.sel $0xFFFF  }
0xc7: {  	[dreg:$0x0] =	wrdreg $0xFFFFFFFF;
	(pc) =	sbr.abs _section_cstart, $3  }
0xc8: {  	[dreg:$0x1] =	wrdreg $0xFFFFFFFF  }
0xc9: {  	_ =	task.clear_ibuf [dreg:s9], $0x2FFFF;
	_ =	strace $0x9FFFFFFF  }
0xca: {  	(tm) =	ssettm $0x7FFFFFFF  }
0xcb: {  	_ =	shalt  }
tec
execute0_lowered:
.L_overlay_start_1:
0x0: {  	(tag) =	ssettag $0x1  }
0x1: {  	s19 =	rddreg [dreg:$0x0]  }
0x2: {  	s0 =	srdreg.scid;
	s5 =	rddreg [dreg:$0x1]  }
0x3: {  	s13 =	stileid.u32;
	s3 =	simm.s32 $0x1;
	s10 =	rddreg [dreg:$0x3]  }
0x4: {  	s0 =	sand.u32 $0x1, s0;
	s1 =	sshll.u32 s13, $0x1;
	s12 =	sadd.s32 $0x1000, s19  }
0x5: {  	s24 =	sshll.u32 s13, $0x9;
	s2 =	sor.u32 s0, s1;
	p1 =	seq.s32 s0, $0x1  }
0x6: {  	s8 =	ssub.s32 $0x2, s0;
	s0 =	sshll.u32 s0, $0x8;
	p0 =	seq.s32 s2, $0x0  }
0x7: {  	s9 =	sshrl.u32 s8, $0x1;
	s1 =	sshllo.u32 s2, $0x1;
	s31 =	sshll.u32 s2, $0x1  }
0x8: {  	s2 =	sshll.u32 s2, $0x5;
	p0 =	por !p0, !p1;
	s14 =	ssub.s32 s8, s9  }
0x9: {  	s22 =	sshll.u32 s1, $0x7;
	s9 =	sand.u32 $0x1C00, s24;
	p0 =	por !p0, !p0  }
0xa: {  	s2 =	sadd.s32 s12, s2;
	s15 =	sand.u32 $0x380, s22;
	s3 =	simm.s32 @!p0 $0x0  }
0xb: {  	s23 =	sand.u32 $0x180, s22;
	s26 =	sor.u32 s9, s15;
	s6 =	ssub.s32 s13, s3  }
0xc: {  	s3 =	simm.s32 $0x0;
	s4 =	sshll.u32 s6, $0xF;
	s20 =	sshll.u32 s6, $0xD  }
0xd: {  	s7 =	sshll.u32 s6, $0x7;
	s0 =	sor.u32 s0, s20;
	s8 =	sor.u32 s23, s20  }
0xe: {  	[smem:$0x7FF] =	sst s3;
	s0 =	sshrl.u32 s0, $0x3;
	s25 =	sshrl.u32 s8, $0x3  }
0xf: {  	s6 =	sadd.s32 s5, s0;
	s8 =	sadd.s32 s5, s25;
	s5 =	sshrl.u32 s26, $0x3  }
0x10: {  	_ =	strace $0x8000004A;
	[dreg:$0x6] =	wrdreg s2;
	s2 =	sadd.s32 s12, s5  }
0x11: {  	s5 =	smax.u32 s14, $0x1;
	[dreg:$0x7] =	wrdreg s2  }
0x12: {  	s12 =	sadd.s32 $0x80, s6;
	[dreg:$0x8] =	wrdreg s5  }
0x13: {  	s11 =	sadd.s32 $0x11000, s19;
	s14 =	sadd.s32 $0xC0, s6;
	[dreg:$0xa] =	wrdreg s12  }
0x14: {  	s4 =	sand.u32 $0xFFFC0000, s4;
	s15 =	sadd.s32 $0x100, s6;
	[dreg:$0xb] =	wrdreg s14  }
0x15: {  	s7 =	sand.u32 $0x380, s7;
	s16 =	sadd.s32 $0x140, s6;
	[dreg:$0xc] =	wrdreg s15  }
0x16: {  	s4 =	sor.u32 s7, s4;
	s17 =	sadd.s32 $0x180, s6;
	[dreg:$0xd] =	wrdreg s16  }
0x17: {  	s7 =	sshrl.u32 s4, $0x3;
	s18 =	sadd.s32 $0x1C0, s6;
	[dreg:$0xe] =	wrdreg s17  }
0x18: {  	s7 =	sadd.s32 s7, s19;
	s19 =	sadd.s32 $0x200, s6;
	[dreg:$0xf] =	wrdreg s18  }
0x19: {  	s20 =	sadd.s32 $0x240, s6;
	[dreg:$0x10] =	wrdreg s19  }
0x1a: {  	s22 =	sadd.s32 $0x2C0, s6;
	[dreg:$0x11] =	wrdreg s20  }
0x1b: {  	s23 =	sadd.s32 $0x300, s6;
	[dreg:$0x13] =	wrdreg s22  }
0x1c: {  	s9 =	sadd.s32 s11, s25;
	s24 =	sadd.s32 $0x340, s6;
	[dreg:$0x14] =	wrdreg s23  }
0x1d: {  	s13 =	sadd.s32 s10, s25;
	s25 =	sadd.s32 $0x380, s6;
	[dreg:$0x15] =	wrdreg s24  }
0x1e: {  	s26 =	sadd.s32 $0x3C0, s6;
	[dreg:$0x16] =	wrdreg s25  }
0x1f: {  	s21 =	sadd.s32 $0x15000, s7;
	s7 =	sadd.s32 s11, s0;
	[dreg:$0x17] =	wrdreg s26  }
0x20: {  	s11 =	sadd.s32 s10, s0;
	s10 =	sadd.s32 $0x40, s6;
	[dreg:$0x5] =	wrdreg s21  }
0x21: {  	s25 =	sadd.s32 $0x40, s8;
	[dreg:$0x9] =	wrdreg s10  }
0x22: {  	s26 =	sadd.s32 $0x80, s8;
	[smem:$0x7EB] =	sst s25  }
0x23: {  	s21 =	sadd.s32 $0x280, s6;
	[smem:$0x7EC] =	sst s26  }
0x24: {  	s2 =	sadd.s32 $0x40, s7;
	[dreg:$0x12] =	wrdreg s21  }
0x25: {  	s5 =	sadd.s32 $0x80, s7;
	[dreg:$0x18] =	wrdreg s2  }
0x26: {  	s10 =	sadd.s32 $0xC0, s7;
	[dreg:$0x19] =	wrdreg s5  }
0x27: {  	s12 =	sadd.s32 $0x100, s7;
	[dreg:$0x1a] =	wrdreg s10  }
0x28: {  	s14 =	sadd.s32 $0x140, s7;
	[dreg:$0x1b] =	wrdreg s12  }
0x29: {  	s15 =	sadd.s32 $0x180, s7;
	[dreg:$0x1c] =	wrdreg s14  }
0x2a: {  	s16 =	sadd.s32 $0x1C0, s7;
	[dreg:$0x1d] =	wrdreg s15  }
0x2b: {  	s17 =	sadd.s32 $0x200, s7;
	[dreg:$0x1e] =	wrdreg s16  }
0x2c: {  	s18 =	sadd.s32 $0x240, s7;
	[dreg:$0x1f] =	wrdreg s17  }
0x2d: {  	s19 =	sadd.s32 $0x280, s7;
	[smem:$0x7E4] =	sst s18  }
0x2e: {  	s20 =	sadd.s32 $0x2C0, s7;
	[smem:$0x7E5] =	sst s19  }
0x2f: {  	s22 =	sadd.s32 $0x340, s7;
	[smem:$0x7E6] =	sst s20  }
0x30: {  	s23 =	sadd.s32 $0x380, s7;
	[smem:$0x7E8] =	sst s22  }
0x31: {  	s24 =	sadd.s32 $0x3C0, s7;
	[smem:$0x7E9] =	sst s23  }
0x32: {  	s25 =	sadd.s32 $0xC0, s9;
	[smem:$0x7EA] =	sst s24  }
0x33: {  	s26 =	sadd.s32 $0x100, s9;
	[smem:$0x7FC] =	sst s25  }
0x34: {  	s21 =	sadd.s32 $0x300, s7;
	[smem:$0x7FD] =	sst s26  }
0x35: {  	s2 =	sadd.s32 $0xC0, s8;
	[smem:$0x7E7] =	sst s21  }
0x36: {  	s5 =	sadd.s32 $0x100, s8;
	[smem:$0x7ED] =	sst s2  }
0x37: {  	s10 =	sadd.s32 $0x140, s8;
	[smem:$0x7EE] =	sst s5  }
0x38: {  	s12 =	sadd.s32 $0x180, s8;
	[smem:$0x7EF] =	sst s10  }
0x39: {  	s14 =	sadd.s32 $0x1C0, s8;
	[smem:$0x7F0] =	sst s12  }
0x3a: {  	s30 =	simm.s32 $0xB100;
	s15 =	sadd.s32 $0x200, s8;
	[smem:$0x7F1] =	sst s14  }
0x3b: {  	v1 =	vmov s31;
	s31 =	simm.s32 $0x2;
	s16 =	sadd.s32 $0x240, s8;
	[smem:$0x7F2] =	sst s15  }
0x3c: {  	v0 =	vmov s1;
	s1 =	simm.s32 $0x0;
	s17 =	sadd.s32 $0x280, s8;
	[smem:$0x7F3] =	sst s16  }
0x3d: {  	s4 =	simm.s32 $0x1;
	s18 =	sadd.s32 $0x2C0, s8;
	[smem:$0x7F4] =	sst s17  }
0x3e: {  	s28 =	sadd.s32 $0x380, s9;
	s19 =	sadd.s32 $0x300, s8;
	[smem:$0x7F5] =	sst s18  }
0x3f: {  	s29 =	sadd.s32 $0x3C0, s9;
	s20 =	sadd.s32 $0x340, s8;
	[smem:$0x7F6] =	sst s19  }
0x40: {  	s22 =	sadd.s32 $0x3C0, s8;
	s23 =	sadd.s32 $0x40, s9;
	[smem:$0x7F7] =	sst s20  }
0x41: {  	s24 =	sadd.s32 $0x80, s9;
	s25 =	sadd.s32 $0x300, s9;
	[smem:$0x7F9] =	sst s22  }
0x42: {  	s26 =	sadd.s32 $0x340, s9;
	s21 =	sadd.s32 $0x380, s8;
	[smem:$0x7FA] =	sst s23  }
0x43: {  	[smem:$0x7FB] =	sst s24;
	s18 =	sadd.s32 $0x140, s9;
	s19 =	sadd.s32 $0x180, s9  }
0x44: {  	s20 =	sadd.s32 $0x1C0, s9;
	s22 =	sadd.s32 $0x240, s9;
	s23 =	sadd.s32 $0x280, s9  }
0x45: {  	v2 =	vlaneseq.u32;
	v1 =	vbroadcast v1, $0x0;
	s24 =	sadd.s32 $0x2C0, s9;
	[smem:$0x7F8] =	sst s21;
	s21 =	sadd.s32 $0x200, s9  }
.LBB2_1:
0x46: {  	s0 =	rddreg [dreg:$0x5];
	s2 =	simm.s32 $0x80;
	s5 =	simm.s32 $0x400  }
0x47: {  	[tilespmem:s3], [sflag:$0x1] =	stream.strided.gather [hbm4b:s0+s2], $0x8000, s5, s2, $0x38;
	[tilespmem:$0xB180] =	vst v63  }
0x48: {  	s17 =	simm.s32 $0x8000  }
0x49: {  	[tilespmem:s17], [sflag:$0x1] =	stream.linear.gather [hbm4b:s6+s3], $0x80, $0x38;
	[tilespmem:$0xB180] =	vst v63  }
0x4a: {  	s2 =	rddreg [dreg:$0x9];
	s5 =	simm.s32 $0x8100  }
0x4b: {  	[tilespmem:s5], [sflag:$0x1] =	stream.linear.gather [hbm4b:s2+s3], $0x80, $0x38;
	[tilespmem:$0xB180] =	vst v63  }
0x4c: {  	s10 =	rddreg [dreg:$0xa];
	s12 =	simm.s32 $0x8200  }
0x4d: {  	[tilespmem:s12], [sflag:$0x1] =	stream.linear.gather [hbm4b:s10+s3], $0x80, $0x38;
	[tilespmem:$0xB180] =	vst v63  }
0x4e: {  	s14 =	rddreg [dreg:$0xb];
	s15 =	simm.s32 $0x8300  }
0x4f: {  	[tilespmem:s15], [sflag:$0x1] =	stream.linear.gather [hbm4b:s14+s3], $0x80, $0x38;
	[tilespmem:$0xB180] =	vst v63  }
0x50: {  	s16 =	rddreg [dreg:$0xc];
	s17 =	simm.s32 $0x8400  }
0x51: {  	[tilespmem:s17], [sflag:$0x1] =	stream.linear.gather [hbm4b:s16+s3], $0x80, $0x38;
	[tilespmem:$0xB180] =	vst v63  }
0x52: {  	s2 =	rddreg [dreg:$0xd];
	s5 =	simm.s32 $0x8500  }
0x53: {  	[tilespmem:s5], [sflag:$0x1] =	stream.linear.gather [hbm4b:s2+s3], $0x80, $0x38;
	[tilespmem:$0xB180] =	vst v63  }
0x54: {  	s10 =	rddreg [dreg:$0xe];
	s12 =	simm.s32 $0x8600  }
0x55: {  	[tilespmem:s12], [sflag:$0x1] =	stream.linear.gather [hbm4b:s10+s3], $0x80, $0x38;
	[tilespmem:$0xB180] =	vst v63  }
0x56: {  	s14 =	rddreg [dreg:$0xf];
	s15 =	simm.s32 $0x8700  }
0x57: {  	[tilespmem:s15], [sflag:$0x1] =	stream.linear.gather [hbm4b:s14+s3], $0x80, $0x38;
	[tilespmem:$0xB180] =	vst v63  }
0x58: {  	s16 =	rddreg [dreg:$0x10];
	s17 =	simm.s32 $0x8800  }
0x59: {  	[tilespmem:s17], [sflag:$0x1] =	stream.linear.gather [hbm4b:s16+s3], $0x80, $0x38;
	[tilespmem:$0xB180] =	vst v63  }
0x5a: {  	s2 =	rddreg [dreg:$0x11];
	s5 =	simm.s32 $0x8900  }
0x5b: {  	[tilespmem:s5], [sflag:$0x1] =	stream.linear.gather [hbm4b:s2+s3], $0x80, $0x38;
	[tilespmem:$0xB180] =	vst v63  }
0x5c: {  	s10 =	rddreg [dreg:$0x12];
	s12 =	simm.s32 $0x8A00  }
0x5d: {  	[tilespmem:s12], [sflag:$0x1] =	stream.linear.gather [hbm4b:s10+s3], $0x80, $0x38;
	[tilespmem:$0xB180] =	vst v63  }
0x5e: {  	s14 =	rddreg [dreg:$0x13];
	s15 =	simm.s32 $0x8B00  }
0x5f: {  	[tilespmem:s15], [sflag:$0x1] =	stream.linear.gather [hbm4b:s14+s3], $0x80, $0x38;
	[tilespmem:$0xB180] =	vst v63  }
0x60: {  	s16 =	rddreg [dreg:$0x14];
	s17 =	simm.s32 $0x8C00  }
0x61: {  	[tilespmem:s17], [sflag:$0x1] =	stream.linear.gather [hbm4b:s16+s3], $0x80, $0x38;
	[tilespmem:$0xB180] =	vst v63  }
0x62: {  	s5 =	rddreg [dreg:$0x15];
	s10 =	simm.s32 $0x8D00  }
0x63: {  	[tilespmem:s10], [sflag:$0x1] =	stream.linear.gather [hbm4b:s5+s3], $0x80, $0x38;
	[tilespmem:$0xB180] =	vst v63  }
0x64: {  	s12 =	rddreg [dreg:$0x16];
	s14 =	simm.s32 $0x8E00  }
0x65: {  	[tilespmem:s14], [sflag:$0x1] =	stream.linear.gather [hbm4b:s12+s3], $0x80, $0x38;
	[tilespmem:$0xB180] =	vst v63  }
0x66: {  	s15 =	rddreg [dreg:$0x17];
	s16 =	simm.s32 $0x8F00  }
0x67: {  	[tilespmem:s16], [sflag:$0x1] =	stream.linear.gather [hbm4b:s15+s3], $0x80, $0x38;
	[tilespmem:$0xB180] =	vst v63  }
0x68: {  	s2 =	rddreg [dreg:$0x18];
	s17 =	simm.s32 $0xA000  }
0x69: {  	[tilespmem:s17], [sflag:$0x1] =	stream.linear.gather [hbm4b:s7+s3], $0x80, $0x38;
	[tilespmem:$0xB180] =	vst v63  }
0x6a: {  	s5 =	simm.s32 $0xA100;
	s10 =	rddreg [dreg:$0x19]  }
0x6b: {  	[tilespmem:s5], [sflag:$0x1] =	stream.linear.gather [hbm4b:s2+s3], $0x80, $0x38;
	[tilespmem:$0xB180] =	vst v63  }
0x6c: {  	s12 =	simm.s32 $0xA200;
	s14 =	rddreg [dreg:$0x1a]  }
0x6d: {  	[tilespmem:s12], [sflag:$0x1] =	stream.linear.gather [hbm4b:s10+s3], $0x80, $0x38;
	[tilespmem:$0xB180] =	vst v63  }
0x6e: {  	s15 =	simm.s32 $0xA300;
	s16 =	rddreg [dreg:$0x1b]  }
0x6f: {  	[tilespmem:s15], [sflag:$0x1] =	stream.linear.gather [hbm4b:s14+s3], $0x80, $0x38;
	[tilespmem:$0xB180] =	vst v63  }
0x70: {  	s17 =	simm.s32 $0xA400;
	s2 =	rddreg [dreg:$0x1c]  }
0x71: {  	[tilespmem:s17], [sflag:$0x1] =	stream.linear.gather [hbm4b:s16+s3], $0x80, $0x38;
	[tilespmem:$0xB180] =	vst v63  }
0x72: {  	s5 =	simm.s32 $0xA500;
	s10 =	rddreg [dreg:$0x1d]  }
0x73: {  	[tilespmem:s5], [sflag:$0x1] =	stream.linear.gather [hbm4b:s2+s3], $0x80, $0x38;
	[tilespmem:$0xB180] =	vst v63  }
0x74: {  	s12 =	simm.s32 $0xA600;
	s14 =	rddreg [dreg:$0x1e]  }
0x75: {  	[tilespmem:s12], [sflag:$0x1] =	stream.linear.gather [hbm4b:s10+s3], $0x80, $0x38;
	[tilespmem:$0xB180] =	vst v63  }
0x76: {  	s15 =	simm.s32 $0xA700;
	s16 =	rddreg [dreg:$0x1f]  }
0x77: {  	[tilespmem:s15], [sflag:$0x1] =	stream.linear.gather [hbm4b:s14+s3], $0x80, $0x38;
	[tilespmem:$0xB180] =	vst v63  }
0x78: {  	s17 =	simm.s32 $0xA800;
	s2 =	sld [smem:$0x7E4]  }
0x79: {  	[tilespmem:s17], [sflag:$0x1] =	stream.linear.gather [hbm4b:s16+s3], $0x80, $0x38;
	[tilespmem:$0xB180] =	vst v63  }
0x7a: {  	s5 =	simm.s32 $0xA900;
	s10 =	sld [smem:$0x7E5]  }
0x7b: {  	[tilespmem:s5], [sflag:$0x1] =	stream.linear.gather [hbm4b:s2+s3], $0x80, $0x38;
	[tilespmem:$0xB180] =	vst v63  }
0x7c: {  	s12 =	simm.s32 $0xAA00;
	s14 =	sld [smem:$0x7E6]  }
0x7d: {  	[tilespmem:s12], [sflag:$0x1] =	stream.linear.gather [hbm4b:s10+s3], $0x80, $0x38;
	[tilespmem:$0xB180] =	vst v63  }
0x7e: {  	s15 =	simm.s32 $0xAB00;
	s16 =	sld [smem:$0x7E7]  }
0x7f: {  	[tilespmem:s15], [sflag:$0x1] =	stream.linear.gather [hbm4b:s14+s3], $0x80, $0x38;
	[tilespmem:$0xB180] =	vst v63  }
0x80: {  	s17 =	simm.s32 $0xAC00;
	s5 =	sld [smem:$0x7E8]  }
0x81: {  	[tilespmem:s17], [sflag:$0x1] =	stream.linear.gather [hbm4b:s16+s3], $0x80, $0x38;
	[tilespmem:$0xB180] =	vst v63  }
0x82: {  	s10 =	simm.s32 $0xAD00;
	s12 =	sld [smem:$0x7E9]  }
0x83: {  	[tilespmem:s10], [sflag:$0x1] =	stream.linear.gather [hbm4b:s5+s3], $0x80, $0x38;
	[tilespmem:$0xB180] =	vst v63  }
0x84: {  	s14 =	simm.s32 $0xAE00;
	s15 =	sld [smem:$0x7EA]  }
0x85: {  	[tilespmem:s14], [sflag:$0x1] =	stream.linear.gather [hbm4b:s12+s3], $0x80, $0x38;
	[tilespmem:$0xB180] =	vst v63  }
0x86: {  	s16 =	simm.s32 $0xAF00  }
0x87: {  	[tilespmem:s16], [sflag:$0x1] =	stream.linear.gather [hbm4b:s15+s3], $0x80, $0x38;
	[tilespmem:$0xB180] =	vst v63  }
0x88: {  	s2 =	sld [smem:$0x7EB];
	s17 =	simm.s32 $0x8080  }
0x89: {  	[tilespmem:s17], [sflag:$0x1] =	stream.linear.gather [hbm4b:s8+s3], $0x80, $0x38;
	[tilespmem:$0xB180] =	vst v63  }
0x8a: {  	s5 =	simm.s32 $0x8180;
	s10 =	sld [smem:$0x7EC]  }
0x8b: {  	[tilespmem:s5], [sflag:$0x1] =	stream.linear.gather [hbm4b:s2+s3], $0x80, $0x38;
	[tilespmem:$0xB180] =	vst v63  }
0x8c: {  	s12 =	simm.s32 $0x8280;
	s14 =	sld [smem:$0x7ED]  }
0x8d: {  	[tilespmem:s12], [sflag:$0x1] =	stream.linear.gather [hbm4b:s10+s3], $0x80, $0x38;
	[tilespmem:$0xB180] =	vst v63  }
0x8e: {  	s15 =	simm.s32 $0x8380;
	s16 =	sld [smem:$0x7EE]  }
0x8f: {  	[tilespmem:s15], [sflag:$0x1] =	stream.linear.gather [hbm4b:s14+s3], $0x80, $0x38;
	[tilespmem:$0xB180] =	vst v63  }
0x90: {  	s17 =	simm.s32 $0x8480;
	s2 =	sld [smem:$0x7EF]  }
0x91: {  	[tilespmem:s17], [sflag:$0x1] =	stream.linear.gather [hbm4b:s16+s3], $0x80, $0x38;
	[tilespmem:$0xB180] =	vst v63  }
0x92: {  	s5 =	simm.s32 $0x8580;
	s10 =	sld [smem:$0x7F0]  }
0x93: {  	[tilespmem:s5], [sflag:$0x1] =	stream.linear.gather [hbm4b:s2+s3], $0x80, $0x38;
	[tilespmem:$0xB180] =	vst v63  }
0x94: {  	s12 =	simm.s32 $0x8680;
	s14 =	sld [smem:$0x7F1]  }
0x95: {  	[tilespmem:s12], [sflag:$0x1] =	stream.linear.gather [hbm4b:s10+s3], $0x80, $0x38;
	[tilespmem:$0xB180] =	vst v63  }
0x96: {  	s15 =	simm.s32 $0x8780;
	s16 =	sld [smem:$0x7F2]  }
0x97: {  	[tilespmem:s15], [sflag:$0x1] =	stream.linear.gather [hbm4b:s14+s3], $0x80, $0x38;
	[tilespmem:$0xB180] =	vst v63  }
0x98: {  	s17 =	simm.s32 $0x8880;
	s2 =	sld [smem:$0x7F3]  }
0x99: {  	[tilespmem:s17], [sflag:$0x1] =	stream.linear.gather [hbm4b:s16+s3], $0x80, $0x38;
	[tilespmem:$0xB180] =	vst v63  }
0x9a: {  	s5 =	simm.s32 $0x8980;
	s10 =	sld [smem:$0x7F4]  }
0x9b: {  	[tilespmem:s5], [sflag:$0x1] =	stream.linear.gather [hbm4b:s2+s3], $0x80, $0x38;
	[tilespmem:$0xB180] =	vst v63  }
0x9c: {  	s12 =	simm.s32 $0x8A80;
	s14 =	sld [smem:$0x7F5]  }
0x9d: {  	[tilespmem:s12], [sflag:$0x1] =	stream.linear.gather [hbm4b:s10+s3], $0x80, $0x38;
	[tilespmem:$0xB180] =	vst v63  }
0x9e: {  	s15 =	simm.s32 $0x8B80;
	s16 =	sld [smem:$0x7F6]  }
0x9f: {  	[tilespmem:s15], [sflag:$0x1] =	stream.linear.gather [hbm4b:s14+s3], $0x80, $0x38;
	[tilespmem:$0xB180] =	vst v63  }
0xa0: {  	s17 =	simm.s32 $0x8C80;
	s5 =	sld [smem:$0x7F7]  }
0xa1: {  	[tilespmem:s17], [sflag:$0x1] =	stream.linear.gather [hbm4b:s16+s3], $0x80, $0x38;
	[tilespmem:$0xB180] =	vst v63  }
0xa2: {  	s10 =	simm.s32 $0x8D80;
	s12 =	sld [smem:$0x7F8]  }
0xa3: {  	[tilespmem:s10], [sflag:$0x1] =	stream.linear.gather [hbm4b:s5+s3], $0x80, $0x38;
	[tilespmem:$0xB180] =	vst v63  }
0xa4: {  	s14 =	simm.s32 $0x8E80;
	s15 =	sld [smem:$0x7F9]  }
0xa5: {  	[tilespmem:s14], [sflag:$0x1] =	stream.linear.gather [hbm4b:s12+s3], $0x80, $0x38;
	[tilespmem:$0xB180] =	vst v63  }
0xa6: {  	s16 =	simm.s32 $0x8F80  }
0xa7: {  	[tilespmem:s16], [sflag:$0x1] =	stream.linear.gather [hbm4b:s15+s3], $0x80, $0x38;
	[tilespmem:$0xB180] =	vst v63  }
0xa8: {  	s2 =	sld [smem:$0x7FA];
	s17 =	simm.s32 $0xA080  }
0xa9: {  	[tilespmem:s17], [sflag:$0x1] =	stream.linear.gather [hbm4b:s9+s3], $0x80, $0x38;
	[tilespmem:$0xB180] =	vst v63  }
0xaa: {  	s5 =	simm.s32 $0xA180;
	s10 =	sld [smem:$0x7FB]  }
0xab: {  	[tilespmem:s5], [sflag:$0x1] =	stream.linear.gather [hbm4b:s2+s3], $0x80, $0x38;
	[tilespmem:$0xB180] =	vst v63  }
0xac: {  	s12 =	simm.s32 $0xA280;
	s14 =	sld [smem:$0x7FC]  }
0xad: {  	[tilespmem:s12], [sflag:$0x1] =	stream.linear.gather [hbm4b:s10+s3], $0x80, $0x38;
	[tilespmem:$0xB180] =	vst v63  }
0xae: {  	s15 =	simm.s32 $0xA380;
	s16 =	sld [smem:$0x7FD]  }
0xaf: {  	[tilespmem:s15], [sflag:$0x1] =	stream.linear.gather [hbm4b:s14+s3], $0x80, $0x38;
	[tilespmem:$0xB180] =	vst v63  }
0xb0: {  	s17 =	simm.s32 $0xA480  }
0xb1: {  	[tilespmem:s17], [sflag:$0x1] =	stream.linear.gather [hbm4b:s16+s3], $0x80, $0x38;
	[tilespmem:$0xB180] =	vst v63  }
0xb2: {  	s2 =	simm.s32 $0xA580  }
0xb3: {  	[tilespmem:s2], [sflag:$0x1] =	stream.linear.gather [hbm4b:s18+s3], $0x80, $0x38;
	[tilespmem:$0xB180] =	vst v63  }
0xb4: {  	s5 =	simm.s32 $0xA680  }
0xb5: {  	[tilespmem:s5], [sflag:$0x1] =	stream.linear.gather [hbm4b:s19+s3], $0x80, $0x38;
	[tilespmem:$0xB180] =	vst v63  }
0xb6: {  	s10 =	simm.s32 $0xA780  }
0xb7: {  	[tilespmem:s10], [sflag:$0x1] =	stream.linear.gather [hbm4b:s20+s3], $0x80, $0x38;
	[tilespmem:$0xB180] =	vst v63  }
0xb8: {  	s12 =	simm.s32 $0xA880  }
0xb9: {  	[tilespmem:s12], [sflag:$0x1] =	stream.linear.gather [hbm4b:s21+s3], $0x80, $0x38;
	[tilespmem:$0xB180] =	vst v63  }
0xba: {  	s14 =	simm.s32 $0xA980  }
0xbb: {  	[tilespmem:s14], [sflag:$0x1] =	stream.linear.gather [hbm4b:s22+s3], $0x80, $0x38;
	[tilespmem:$0xB180] =	vst v63  }
0xbc: {  	s15 =	simm.s32 $0xAA80  }
0xbd: {  	[tilespmem:s15], [sflag:$0x1] =	stream.linear.gather [hbm4b:s23+s3], $0x80, $0x38;
	[tilespmem:$0xB180] =	vst v63  }
0xbe: {  	s16 =	simm.s32 $0xAB80  }
0xbf: {  	[tilespmem:s16], [sflag:$0x1] =	stream.linear.gather [hbm4b:s24+s3], $0x80, $0x38;
	[tilespmem:$0xB180] =	vst v63  }
0xc0: {  	s17 =	simm.s32 $0xAC80  }
0xc1: {  	[tilespmem:s17], [sflag:$0x1] =	stream.linear.gather [hbm4b:s25+s3], $0x80, $0x38;
	[tilespmem:$0xB180] =	vst v63  }
0xc2: {  	s2 =	simm.s32 $0xAD80  }
0xc3: {  	[tilespmem:s2], [sflag:$0x1] =	stream.linear.gather [hbm4b:s26+s3], $0x80, $0x38;
	[tilespmem:$0xB180] =	vst v63  }
0xc4: {  	s5 =	simm.s32 $0xAE80  }
0xc5: {  	[tilespmem:s5], [sflag:$0x1] =	stream.linear.gather [hbm4b:s28+s3], $0x80, $0x38;
	[tilespmem:$0xB180] =	vst v63  }
0xc6: {  	s10 =	simm.s32 $0xAF80  }
0xc7: {  	[tilespmem:s10], [sflag:$0x1] =	stream.linear.gather [hbm4b:s29+s3], $0x80, $0x38;
	[tilespmem:$0xB180] =	vst v63  }
0xc8: {  	s12 =	rddreg [dreg:$0x2]  }
0xc9: {  	[tilespmem:s30], [sflag:$0x1] =	stream.linear.gather [hbm4b:s12+s3], $0x80, $0x38;
	[tilespmem:$0xB180] =	vst v63  }
0xca: {  	_ =	swait.ge [sflag:s4], $0x8000  }
0xcb: {  	[sflag:s4] =	ssyncset.done $0x0  }
0xcc: {  	[sflag:s4] =	ssyncadd.s32 $0xFFFF8000  }
0xcd: {  	_ =	swait.ge [sflag:s4], $0x800  }
0xce: {  	[sflag:s4] =	ssyncset.done $0x0  }
0xcf: {  	[sflag:s4] =	ssyncadd.s32 $0xFFFFF800  }
0xd0: {  	_ =	swait.ge [sflag:s4], $0x800  }
0xd1: {  	[sflag:s4] =	ssyncset.done $0x0  }
0xd2: {  	[sflag:s4] =	ssyncadd.s32 $0xFFFFF800  }
0xd3: {  	_ =	swait.ge [sflag:s4], $0x800  }
0xd4: {  	[sflag:s4] =	ssyncset.done $0x0  }
0xd5: {  	[sflag:s4] =	ssyncadd.s32 $0xFFFFF800  }
0xd6: {  	_ =	swait.ge [sflag:s4], $0x800  }
0xd7: {  	[sflag:s4] =	ssyncset.done $0x0  }
0xd8: {  	[sflag:s4] =	ssyncadd.s32 $0xFFFFF800  }
0xd9: {  	_ =	swait.ge [sflag:s4], $0x80  }
0xda: {  	s14 =	sand.u32 $0x70, s3;
	s15 =	sand.u32 $0xF00, s3;
	[sflag:s4] =	ssyncset.done $0x0  }
0xdb: {  	s10 =	sor.u32 s14, s15;
	[sflag:s4] =	ssyncadd.s32 $0xFFFFFF80  }
0xdc: {  	v3 =	vld [tilespmem:s10+$0x8000];
	_ =	sdelay $0x3  }
0xdd: {  	s0 =	simm.s32 $0x10;
	s16 =	simm.s32 $0x20  }
0xde: {  	s17 =	sand.u32 $0x70, s0;
	s2 =	sand.u32 $0xF00, s16;
	v4 =	vand.u32 $0xFFFF8000, v3  }
0xdf: {  	s5 =	sor.u32 s17, s2;
	v3 =	vadd.s32 $0xFFFF8000, v3;
	vm0 =	veq.s32 v4, $0x8000  }
0xe0: {  	v5 =	vld [tilespmem:s5+$0x8000];
	v4 =	vnsel vm0, $0x0, v3;
	_ =	sdelay $0x2  }
0xe1: {  	v8 =	vld [tilespmem:s10+$0xA000]  }
0xe2: {  	v3 =	vld.idx.msk [tilespmem:v1+s30+$0x0], $0xffff  }
0xe3: {  	s2 =	simm.s32 $0x20;
	s14 =	simm.s32 $0x40;
	v6 =	vand.u32 $0xFFFF8000, v5;
	v4 =	vld.idx.msk [tilespmem:v4+s3+$0x0], $0xffff  }
0xe4: {  	s15 =	sand.u32 $0xF00, s14;
	s12 =	sand.u32 $0x70, s2;
	v5 =	vadd.s32 $0xFFFF8000, v5;
	vm1 =	veq.s32 v6, $0x8000  }
0xe5: {  	s12 =	sor.u32 s12, s15;
	v9 =	vnsel vm1, $0x0, v5  }
0xe6: {  	v7 =	vld [tilespmem:s12+$0x8000]  }
0xe7: {  	vm0 =	vmmov vm0;
	v5 =	vor.u32 s3, v2  }
0xe8: {  	v4 =	vsel vm0, v4, v8;
	vm0 =	vlt.s32 v5, v3  }
0xe9: {  	v6 =	vimm.f32 $-Inf;
	[tilespmem:s10+$0x9000] =	vst v4;
	v8 =	vnsel vm0, $0xCE6E6B28, v4  }
0xea: {  	s15 =	simm.s32 $0x40;
	vm1 =	vmmov vm1;
	v4 =	vimm.s32 $0x0;
	s10 =	simm.s32 $0x30;
	v9 =	vld.idx.msk [tilespmem:v9+s3+$0x0], $0xffff;
	vm0 =	vgt.f32 v8, v6  }
.LBB2_2:
0xeb: {  	p0 =	sne.s32 s15, $0x7F0;
	v10 =	vand.u32 $0xFFFF8000, v7;
	s14 =	sadd.s32 $0x20, s14;
	v11 =	vld [tilespmem:s5+$0xA000];
	v6 =	vsel vm0, v8, v6;
	v4 =	vsel vm0, v5, v4  }
0xec: {  	s16 =	sand.u32 $0x70, s10;
	v5 =	vadd.s32 $0xFFFF8000, v7;
	s17 =	sand.u32 $0xF00, s14;
	vm0 =	veq.s32 v10, $0x8000  }
0xed: {  	s16 =	sor.u32 s16, s17;
	v10 =	vnsel vm0, $0x0, v5  }
.Ltmp0:
0xee: {  	v7 =	vld [tilespmem:s16+$0x8000];
	(pc) =	sbr.rel @p0 .LBB2_2-.Ltmp0, $4  }
0xef: {  	v5 =	vor.u32 s0, v2;
	s0 =	smov.u32 s2;
	s2 =	smov.u32 s10;
	s10 =	smov.u32 s15  }
0xf0: {  	vm2 =	vlt.s32 v5, v3;
	v8 =	vsel vm1, v9, v11;
	vm1 =	vmmov vm0  }
0xf1: {  	[tilespmem:s5+$0x9000] =	vst v8;
	v8 =	vnsel vm2, $0xCE6E6B28, v8;
	s5 =	smov.u32 s12;
	s12 =	smov.u32 s16  }
0xf2: {  	s15 =	sadd.s32 $0x10, s15;
	v9 =	vld.idx.msk [tilespmem:v10+s3+$0x0], $0xffff;
	vm0 =	vgt.f32 v8, v6  }
0xf3: {  	v10 =	vand.u32 $0xFFFF8000, v7;
	v11 =	vld [tilespmem:s5+$0xA000]  }
0xf4: {  	s14 =	sadd.s32 $0x20, s14;
	v7 =	vadd.s32 $0xFFFF8000, v7;
	vm2 =	veq.s32 v10, $0x8000  }
0xf5: {  	s15 =	sand.u32 $0x70, s10;
	s14 =	sand.u32 $0xF00, s14;
	v7 =	vnsel vm2, $0x0, v7  }
0xf6: {  	s14 =	sor.u32 s15, s14  }
0xf7: {  	v10 =	vld [tilespmem:s14+$0x8000]  }
0xf8: {  	v9 =	vsel vm1, v9, v11  }
0xf9: {  	[tilespmem:s5+$0x9000] =	vst v9  }
0xfa: {  	v7 =	vld.idx.msk [tilespmem:v7+s3+$0x0], $0xffff  }
0xfb: {  	v12 =	vld [tilespmem:s12+$0xA000]  }
0xfc: {  	v11 =	vand.u32 $0xFFFF8000, v10  }
0xfd: {  	v10 =	vadd.s32 $0xFFFF8000, v10;
	vm1 =	veq.s32 v11, $0x8000  }
0xfe: {  	v10 =	vnsel vm1, $0x0, v10  }
0xff: {  	vm2 =	vmmov vm2  }
0x100: {  	v7 =	vsel vm2, v7, v12  }
0x101: {  	[tilespmem:s12+$0x9000] =	vst v7  }
0x102: {  	v63 =	vld [tilespmem:s14+$0xA000]  }
0x103: {  	v11 =	vor.u32 s0, v2;
	v10 =	vld.idx.msk [tilespmem:v10+s3+$0x0], $0xffff  }
0x104: {  	vm2 =	vlt.s32 v11, v3  }
0x105: {  	v6 =	vsel vm0, v8, v6;
	v8 =	vnsel vm2, $0xCE6E6B28, v9;
	v9 =	vor.u32 s2, v2  }
0x106: {  	vm1 =	vmmov vm1;
	vm2 =	vgt.f32 v8, v6;
	vm3 =	vlt.s32 v9, v3  }
0x107: {  	v6 =	vsel vm2, v8, v6;
	v7 =	vnsel vm3, $0xCE6E6B28, v7;
	v8 =	vor.u32 s10, v2  }
0x108: {  	vm3 =	vlt.s32 v8, v3;
	v10 =	vsel vm1, v10, v63;
	vm1 =	vgt.f32 v7, v6  }
0x109: {  	v3 =	vsel vm1, v7, v6;
	v6 =	vnsel vm3, $0xCE6E6B28, v10  }
0x10a: {  	vm3 =	vgt.f32 v6, v3  }
0x10b: {  	v3 =	vsel vm3, v6, v3  }
0x10c: {  	(xrf0) =	vmax.scan.msk.f32 $0xffff, v3;
	_ =	sdelay $0x4  }
0x10d: {  	v4 =	vsel vm0, v5, v4  }
0x10e: {  	v4 =	vsel vm2, v11, v4;
	v5, _, _ =	vpop (xrf0)  }
0x10f: {  	v4 =	vsel vm1, v9, v4;
	v5 =	vbroadcast v5, $0xF  }
0x110: {  	v4 =	vsel vm3, v8, v4  }
0x111: {  	vm0 =	veq.f32 v3, v5;
	v3 =	vxor.u32 $0x80000000, v4  }
0x112: {  	v3 =	vnsel vm0, $0x80000800, v3  }
0x113: {  	(xrf0) =	vmin.scan.msk.u32 $0xffff, v3;
	_ =	sdelay $0x5  }
0x114: {  	v3, _, _ =	vpop (xrf0)  }
0x115: {  	(v2sf) =	vpush v3, $0xF;
	_ =	sdelay $0xe  }
0x116: {  	s15 =	spop (v2sf)  }
0x117: {  	s0 =	sxor.u32 $0x80000000, s15  }
0x118: {  	[tilespmem:s14+$0x9000] =	vst v10;
	v3 =	vmov s0  }
0x119: {  	s16 =	rddreg [dreg:$0x6];
	s17 =	simm.s32 $0xB000;
	s10 =	simm.s32 $0x0;
	[tilespmem:$0xB000] =	vst v3  }
0x11a: {  	[hbm4b:s16+s10] =	stream.linear.scatter [tilespmem:s17], [sflag:$0x2], $0x80, $0x38;
	[tilespmem:$0xB180] =	vst v63  }
0x11b: {  	s2 =	simm.s32 $0x9000  }
0x11c: {  	[hbm4b:s11+s10] =	stream.linear.scatter [tilespmem:s2], [sflag:$0x2], $0x80, $0x38;
	[tilespmem:$0xB180] =	vst v63  }
0x11d: {  	s5 =	sadd.s32 $0x40, s11;
	s12 =	simm.s32 $0x9100  }
0x11e: {  	[hbm4b:s5+s10] =	stream.linear.scatter [tilespmem:s12], [sflag:$0x2], $0x80, $0x38;
	[tilespmem:$0xB180] =	vst v63  }
0x11f: {  	s14 =	sadd.s32 $0x80, s11;
	s15 =	simm.s32 $0x9200  }
0x120: {  	[hbm4b:s14+s10] =	stream.linear.scatter [tilespmem:s15], [sflag:$0x2], $0x80, $0x38;
	[tilespmem:$0xB180] =	vst v63  }
0x121: {  	s16 =	sadd.s32 $0xC0, s11;
	s17 =	simm.s32 $0x9300  }
0x122: {  	[hbm4b:s16+s10] =	stream.linear.scatter [tilespmem:s17], [sflag:$0x2], $0x80, $0x38;
	[tilespmem:$0xB180] =	vst v63  }
0x123: {  	s5 =	sadd.s32 $0x100, s11;
	s12 =	simm.s32 $0x9400  }
0x124: {  	[hbm4b:s5+s10] =	stream.linear.scatter [tilespmem:s12], [sflag:$0x2], $0x80, $0x38;
	[tilespmem:$0xB180] =	vst v63  }
0x125: {  	s14 =	sadd.s32 $0x140, s11;
	s15 =	simm.s32 $0x9500  }
0x126: {  	[hbm4b:s14+s10] =	stream.linear.scatter [tilespmem:s15], [sflag:$0x2], $0x80, $0x38;
	[tilespmem:$0xB180] =	vst v63  }
0x127: {  	s16 =	sadd.s32 $0x180, s11;
	s17 =	simm.s32 $0x9600  }
0x128: {  	[hbm4b:s16+s10] =	stream.linear.scatter [tilespmem:s17], [sflag:$0x2], $0x80, $0x38;
	[tilespmem:$0xB180] =	vst v63  }
0x129: {  	s5 =	sadd.s32 $0x1C0, s11;
	s12 =	simm.s32 $0x9700  }
0x12a: {  	[hbm4b:s5+s10] =	stream.linear.scatter [tilespmem:s12], [sflag:$0x2], $0x80, $0x38;
	[tilespmem:$0xB180] =	vst v63  }
0x12b: {  	s14 =	sadd.s32 $0x200, s11;
	s15 =	simm.s32 $0x9800  }
0x12c: {  	[hbm4b:s14+s10] =	stream.linear.scatter [tilespmem:s15], [sflag:$0x2], $0x80, $0x38;
	[tilespmem:$0xB180] =	vst v63  }
0x12d: {  	s16 =	sadd.s32 $0x240, s11;
	s17 =	simm.s32 $0x9900  }
0x12e: {  	[hbm4b:s16+s10] =	stream.linear.scatter [tilespmem:s17], [sflag:$0x2], $0x80, $0x38;
	[tilespmem:$0xB180] =	vst v63  }
0x12f: {  	s5 =	sadd.s32 $0x280, s11;
	s12 =	simm.s32 $0x9A00  }
0x130: {  	[hbm4b:s5+s10] =	stream.linear.scatter [tilespmem:s12], [sflag:$0x2], $0x80, $0x38;
	[tilespmem:$0xB180] =	vst v63  }
0x131: {  	s14 =	sadd.s32 $0x2C0, s11;
	s15 =	simm.s32 $0x9B00  }
0x132: {  	[hbm4b:s14+s10] =	stream.linear.scatter [tilespmem:s15], [sflag:$0x2], $0x80, $0x38;
	[tilespmem:$0xB180] =	vst v63  }
0x133: {  	s16 =	sadd.s32 $0x300, s11;
	s17 =	simm.s32 $0x9C00  }
0x134: {  	[hbm4b:s16+s10] =	stream.linear.scatter [tilespmem:s17], [sflag:$0x2], $0x80, $0x38;
	[tilespmem:$0xB180] =	vst v63  }
0x135: {  	s5 =	sadd.s32 $0x340, s11;
	s12 =	simm.s32 $0x9D00;
	s14 =	sadd.s32 $0x380, s11  }
0x136: {  	[hbm4b:s5+s10] =	stream.linear.scatter [tilespmem:s12], [sflag:$0x2], $0x80, $0x38;
	[tilespmem:$0xB180] =	vst v63  }
0x137: {  	s15 =	simm.s32 $0x9E00;
	s5 =	sand.u32 $0x70, s10;
	s12 =	sand.u32 $0xF00, s10  }
0x138: {  	[hbm4b:s14+s10] =	stream.linear.scatter [tilespmem:s15], [sflag:$0x2], $0x80, $0x38;
	[tilespmem:$0xB180] =	vst v63  }
0x139: {  	s16 =	sadd.s32 $0x3C0, s11;
	s17 =	simm.s32 $0x9F00;
	s15 =	sor.u32 s12, s5  }
0x13a: {  	[hbm4b:s16+s10] =	stream.linear.scatter [tilespmem:s17], [sflag:$0x2], $0x80, $0x38;
	[tilespmem:$0xB180] =	vst v63  }
0x13b: {  	v3 =	vld [tilespmem:s15+$0x8080];
	_ =	sdelay $0x3  }
0x13c: {  	s0 =	simm.s32 $0x10;
	s14 =	simm.s32 $0x20  }
0x13d: {  	s2 =	sand.u32 $0xF00, s14;
	s16 =	sand.u32 $0x70, s0;
	v4 =	vand.u32 $0xFFFF8000, v3  }
0x13e: {  	s5 =	sor.u32 s2, s16;
	v3 =	vadd.s32 $0xFFFF8000, v3;
	vm0 =	veq.s32 v4, $0x8000  }
0x13f: {  	v5 =	vld [tilespmem:s5+$0x8080];
	v4 =	vnsel vm0, $0x0, v3;
	_ =	sdelay $0x2  }
0x140: {  	v8 =	vld [tilespmem:s15+$0xA080]  }
0x141: {  	v3 =	vld.idx.msk [tilespmem:v0+s30+$0x0], $0xffff  }
0x142: {  	s14 =	simm.s32 $0x40;
	s2 =	simm.s32 $0x20;
	v6 =	vand.u32 $0xFFFF8000, v5;
	v4 =	vld.idx.msk [tilespmem:v4+s3+$0x0], $0xffff  }
0x143: {  	s16 =	sand.u32 $0xF00, s14;
	s17 =	sand.u32 $0x70, s2;
	v5 =	vadd.s32 $0xFFFF8000, v5;
	vm1 =	veq.s32 v6, $0x8000  }
0x144: {  	s12 =	sor.u32 s16, s17;
	v9 =	vnsel vm1, $0x0, v5  }
0x145: {  	v7 =	vld [tilespmem:s12+$0x8080]  }
0x146: {  	vm0 =	vmmov vm0;
	v5 =	vor.u32 s10, v2  }
0x147: {  	v4 =	vsel vm0, v4, v8;
	vm0 =	vlt.s32 v5, v3  }
0x148: {  	v6 =	vimm.f32 $-Inf;
	[tilespmem:s15+$0x9080] =	vst v4;
	v8 =	vnsel vm0, $0xCE6E6B28, v4  }
0x149: {  	s10 =	simm.s32 $0x30;
	vm1 =	vmmov vm1;
	v4 =	vimm.s32 $0x0;
	s15 =	simm.s32 $0x40;
	v9 =	vld.idx.msk [tilespmem:v9+s3+$0x0], $0xffff;
	vm0 =	vgt.f32 v8, v6  }
.LBB2_4:
0x14a: {  	p0 =	sne.s32 s15, $0x7F0;
	v10 =	vand.u32 $0xFFFF8000, v7;
	s14 =	sadd.s32 $0x20, s14;
	v11 =	vld [tilespmem:s5+$0xA080];
	v6 =	vsel vm0, v8, v6;
	v4 =	vsel vm0, v5, v4  }
0x14b: {  	s16 =	sand.u32 $0x70, s10;
	v5 =	vadd.s32 $0xFFFF8000, v7;
	s17 =	sand.u32 $0xF00, s14;
	vm0 =	veq.s32 v10, $0x8000  }
0x14c: {  	s16 =	sor.u32 s17, s16;
	v10 =	vnsel vm0, $0x0, v5  }
.Ltmp1:
0x14d: {  	v7 =	vld [tilespmem:s16+$0x8080];
	(pc) =	sbr.rel @p0 .LBB2_4-.Ltmp1, $4  }
0x14e: {  	v5 =	vor.u32 s0, v2;
	s0 =	smov.u32 s2;
	s2 =	smov.u32 s10;
	s10 =	smov.u32 s15  }
0x14f: {  	vm2 =	vlt.s32 v5, v3;
	v8 =	vsel vm1, v9, v11;
	vm1 =	vmmov vm0  }
0x150: {  	[tilespmem:s5+$0x9080] =	vst v8;
	v8 =	vnsel vm2, $0xCE6E6B28, v8;
	s5 =	smov.u32 s12;
	s12 =	smov.u32 s16  }
0x151: {  	s15 =	sadd.s32 $0x10, s15;
	v9 =	vld.idx.msk [tilespmem:v10+s3+$0x0], $0xffff;
	vm0 =	vgt.f32 v8, v6  }
0x152: {  	v10 =	vand.u32 $0xFFFF8000, v7;
	v11 =	vld [tilespmem:s5+$0xA080]  }
0x153: {  	s14 =	sadd.s32 $0x20, s14;
	v54 =	vadd.s32 $0xFFFF8000, v7;
	vm2 =	veq.s32 v10, $0x8000  }
0x154: {  	s15 =	sand.u32 $0x70, s10;
	s14 =	sand.u32 $0xF00, s14;
	v7 =	vnsel vm2, $0x0, v54  }
0x155: {  	s14 =	sor.u32 s14, s15  }
0x156: {  	v55 =	vld [tilespmem:s14+$0x8080]  }
0x157: {  	v9 =	vsel vm1, v9, v11  }
0x158: {  	[tilespmem:s5+$0x9080] =	vst v9  }
0x159: {  	v7 =	vld.idx.msk [tilespmem:v7+s3+$0x0], $0xffff  }
0x15a: {  	v12 =	vld [tilespmem:s12+$0xA080]  }
0x15b: {  	v56 =	vand.u32 $0xFFFF8000, v55  }
0x15c: {  	v10 =	vadd.s32 $0xFFFF8000, v55;
	vm11 =	veq.s32 v56, $0x8000  }
0x15d: {  	v10 =	vnsel vm11, $0x0, v10  }
0x15e: {  	vm2 =	vmmov vm2  }
0x15f: {  	v7 =	vsel vm2, v7, v12  }
0x160: {  	[tilespmem:s12+$0x9080] =	vst v7  }
0x161: {  	v58 =	vld [tilespmem:s14+$0xA080]  }
0x162: {  	v57 =	vor.u32 s0, v2;
	v10 =	vld.idx.msk [tilespmem:v10+s3+$0x0], $0xffff  }
0x163: {  	vm12 =	vlt.s32 v57, v3  }
0x164: {  	v6 =	vsel vm0, v8, v6;
	v60 =	vor.u32 s2, v2;
	v59 =	vnsel vm12, $0xCE6E6B28, v9  }
0x165: {  	v61 =	vor.u32 s10, v2;
	vm3 =	vlt.s32 v60, v3;
	vm2 =	vgt.f32 v59, v6  }
0x166: {  	vm1 =	vmmov vm11;
	v6 =	vsel vm2, v59, v6;
	v7 =	vnsel vm3, $0xCE6E6B28, v7  }
0x167: {  	vm14 =	vlt.s32 v61, v3;
	vm13 =	vgt.f32 v7, v6;
	v10 =	vsel vm1, v10, v58  }
0x168: {  	v3 =	vsel vm13, v7, v6;
	v62 =	vnsel vm14, $0xCE6E6B28, v10  }
0x169: {  	vm3 =	vgt.f32 v62, v3  }
0x16a: {  	v3 =	vsel vm3, v62, v3  }
0x16b: {  	(xrf0) =	vmax.scan.msk.f32 $0xffff, v3;
	_ =	sdelay $0x4  }
0x16c: {  	v4 =	vsel vm0, v5, v4  }
0x16d: {  	v4 =	vsel vm2, v57, v4;
	v63, _, _ =	vpop (xrf0)  }
0x16e: {  	v4 =	vsel vm13, v60, v4;
	v5 =	vbroadcast v63, $0xF  }
0x16f: {  	v4 =	vsel vm3, v61, v4  }
0x170: {  	vm15 =	veq.f32 v3, v5;
	v3 =	vxor.u32 $0x80000000, v4  }
0x171: {  	v3 =	vnsel vm15, $0x80000800, v3  }
0x172: {  	(xrf0) =	vmin.scan.msk.u32 $0xffff, v3;
	_ =	sdelay $0x5  }
0x173: {  	v3, _, _ =	vpop (xrf0)  }
0x174: {  	(v2sf) =	vpush v3, $0xF;
	_ =	sdelay $0xe  }
0x175: {  	s12 =	spop (v2sf)  }
0x176: {  	s0 =	sxor.u32 $0x80000000, s12  }
0x177: {  	[tilespmem:s14+$0x9080] =	vst v10;
	v3 =	vmov s0  }
0x178: {  	s16 =	simm.s32 $0xB080;
	s15 =	rddreg [dreg:$0x7];
	[tilespmem:$0xB080] =	vst v3  }
0x179: {  	[hbm4b:s15+s3] =	stream.linear.scatter [tilespmem:s16], [sflag:$0x2], $0x80, $0x38;
	[tilespmem:$0xB180] =	vst v63  }
0x17a: {  	s17 =	simm.s32 $0x9080  }
0x17b: {  	[hbm4b:s13+s3] =	stream.linear.scatter [tilespmem:s17], [sflag:$0x2], $0x80, $0x38;
	[tilespmem:$0xB180] =	vst v63  }
0x17c: {  	s2 =	sadd.s32 $0x40, s13;
	s5 =	simm.s32 $0x9180  }
0x17d: {  	[hbm4b:s2+s3] =	stream.linear.scatter [tilespmem:s5], [sflag:$0x2], $0x80, $0x38;
	[tilespmem:$0xB180] =	vst v63  }
0x17e: {  	s10 =	sadd.s32 $0x80, s13;
	s12 =	simm.s32 $0x9280  }
0x17f: {  	[hbm4b:s10+s3] =	stream.linear.scatter [tilespmem:s12], [sflag:$0x2], $0x80, $0x38;
	[tilespmem:$0xB180] =	vst v63  }
0x180: {  	s14 =	sadd.s32 $0xC0, s13;
	s15 =	simm.s32 $0x9380  }
0x181: {  	[hbm4b:s14+s3] =	stream.linear.scatter [tilespmem:s15], [sflag:$0x2], $0x80, $0x38;
	[tilespmem:$0xB180] =	vst v63  }
0x182: {  	s16 =	sadd.s32 $0x100, s13;
	s17 =	simm.s32 $0x9480  }
0x183: {  	[hbm4b:s16+s3] =	stream.linear.scatter [tilespmem:s17], [sflag:$0x2], $0x80, $0x38;
	[tilespmem:$0xB180] =	vst v63  }
0x184: {  	s2 =	sadd.s32 $0x140, s13;
	s5 =	simm.s32 $0x9580  }
0x185: {  	[hbm4b:s2+s3] =	stream.linear.scatter [tilespmem:s5], [sflag:$0x2], $0x80, $0x38;
	[tilespmem:$0xB180] =	vst v63  }
0x186: {  	s10 =	sadd.s32 $0x180, s13;
	s12 =	simm.s32 $0x9680  }
0x187: {  	[hbm4b:s10+s3] =	stream.linear.scatter [tilespmem:s12], [sflag:$0x2], $0x80, $0x38;
	[tilespmem:$0xB180] =	vst v63  }
0x188: {  	s14 =	sadd.s32 $0x1C0, s13;
	s15 =	simm.s32 $0x9780  }
0x189: {  	[hbm4b:s14+s3] =	stream.linear.scatter [tilespmem:s15], [sflag:$0x2], $0x80, $0x38;
	[tilespmem:$0xB180] =	vst v63  }
0x18a: {  	s16 =	sadd.s32 $0x200, s13;
	s17 =	simm.s32 $0x9880  }
0x18b: {  	[hbm4b:s16+s3] =	stream.linear.scatter [tilespmem:s17], [sflag:$0x2], $0x80, $0x38;
	[tilespmem:$0xB180] =	vst v63  }
0x18c: {  	s2 =	sadd.s32 $0x240, s13;
	s5 =	simm.s32 $0x9980  }
0x18d: {  	[hbm4b:s2+s3] =	stream.linear.scatter [tilespmem:s5], [sflag:$0x2], $0x80, $0x38;
	[tilespmem:$0xB180] =	vst v63  }
0x18e: {  	s10 =	sadd.s32 $0x280, s13;
	s12 =	simm.s32 $0x9A80  }
0x18f: {  	[hbm4b:s10+s3] =	stream.linear.scatter [tilespmem:s12], [sflag:$0x2], $0x80, $0x38;
	[tilespmem:$0xB180] =	vst v63  }
0x190: {  	s14 =	sadd.s32 $0x2C0, s13;
	s15 =	simm.s32 $0x9B80  }
0x191: {  	[hbm4b:s14+s3] =	stream.linear.scatter [tilespmem:s15], [sflag:$0x2], $0x80, $0x38;
	[tilespmem:$0xB180] =	vst v63  }
0x192: {  	s16 =	sadd.s32 $0x300, s13;
	s17 =	simm.s32 $0x9C80  }
0x193: {  	[hbm4b:s16+s3] =	stream.linear.scatter [tilespmem:s17], [sflag:$0x2], $0x80, $0x38;
	[tilespmem:$0xB180] =	vst v63  }
0x194: {  	s5 =	sadd.s32 $0x340, s13;
	s10 =	simm.s32 $0x9D80  }
0x195: {  	[hbm4b:s5+s3] =	stream.linear.scatter [tilespmem:s10], [sflag:$0x2], $0x80, $0x38;
	[tilespmem:$0xB180] =	vst v63  }
0x196: {  	s12 =	sadd.s32 $0x380, s13;
	s14 =	simm.s32 $0x9E80  }
0x197: {  	[hbm4b:s12+s3] =	stream.linear.scatter [tilespmem:s14], [sflag:$0x2], $0x80, $0x38;
	[tilespmem:$0xB180] =	vst v63  }
0x198: {  	s15 =	sadd.s32 $0x3C0, s13;
	s16 =	simm.s32 $0x9F80  }
0x199: {  	[hbm4b:s15+s3] =	stream.linear.scatter [tilespmem:s16], [sflag:$0x2], $0x80, $0x38;
	[tilespmem:$0xB180] =	vst v63  }
0x19a: {  	_ =	swait.ge [sflag:s31], $0x80  }
0x19b: {  	[sflag:s31] =	ssyncset.done $0x0  }
0x19c: {  	[sflag:s31] =	ssyncadd.s32 $0xFFFFFF80  }
0x19d: {  	_ =	swait.ge [sflag:s31], $0x800  }
0x19e: {  	[sflag:s31] =	ssyncset.done $0x0  }
0x19f: {  	[sflag:s31] =	ssyncadd.s32 $0xFFFFF800  }
0x1a0: {  	_ =	swait.ge [sflag:s31], $0x80  }
0x1a1: {  	[sflag:s31] =	ssyncset.done $0x0  }
0x1a2: {  	[sflag:s31] =	ssyncadd.s32 $0xFFFFFF80  }
0x1a3: {  	_ =	swait.ge [sflag:s31], $0x800  }
0x1a4: {  	s1 =	sadd.s32 $0x1, s1;
	s17 =	rddreg [dreg:$0x8]  }
0x1a5: {  	p0 =	sne.s32 s1, s17  }
.Ltmp2:
0x1a6: {  	_ = 	snop;
	(pc) =	sbr.rel @p0 .LBB2_1-.Ltmp2, $3  }
0x1a7: {  	_ =	sdelay $0x1  }
0x1a8: {  	[sflag:s31] =	ssyncset.done $0x0  }
0x1a9: {  	[sflag:s31] =	ssyncadd.s32 $0xFFFFF800  }
0x1aa: {  	_ =	sfence.sel $0x180000  }
0x1ab: {  	[bflag:$0x0] =	sbarrier.arrive $0xFFFF  }
0x1ac: {  	_ =	strace $0x9000004A  }
0x1ad: {  	s0 =	stileid.u32;
	[bflag:$0x2] =	sbarrier.arrive $0xFFFF  }
0x1ae: {  	p0 =	sne.s32 s0, $0x0;
	s0 =	rddreg [dreg:$0x4]  }
0x1af: {  	s0 =	sadd.s32 @!p0 $0x100000, s0  }
0x1b0: {  	[sflag:s0] =	ssyncadd.tile.s32 @!p0 $0x1;
	_ =	shalt  }
.Lfunc_end2:
_tile_overlayer_lowered:
.L_overlay_start_2:
0x1b1: {  	(tag) =	ssettag $0x2  }
0x1b2: {  	s0 =	rddreg [dreg:$0x0];
	s2 =	stileid.u32  }
0x1b3: {  	s1 =	rddreg [dreg:$0x1];
	p0 =	sne.s32 s2, $0x0  }
0x1b4: {  	s3 =	rddreg [dreg:$0x2];
	[bflag:$0x3] =	sbarrier.arrive $0xFFFF;
	s2 =	simm.s32 @!p0 $0x1C03  }
0x1b5: {  	[timem:s3], [sflag:s2] =	dma.local @!p0 [hbm:s0], s1  }
0x1b6: {  	s0 =	simm.s32 @!p0 $0x3  }
0x1b7: {  	_ =	swait.ge @!p0 [sflag:s0], s1  }
0x1b8: {  	s1 =	ssub.s32 @!p0 $0x0, s1;
	[sflag:s0] =	ssyncset.done @!p0 $0x0  }
0x1b9: {  	[sflag:s0] =	ssyncadd.s32 @!p0 s1  }
0x1ba: {  	[bflag:$0x3] =	sbarrier.arrive $0xFFFF  }
0x1bb: {  	_ =	shalt  }

</sc_bundles>
